<compile_context>
chip_gen: v7x
topology: tpu7x:2x2x1
jax: 0.10.2.dev20260603
libtpu: 0.0.44.dev20260713+nightly
codegen_flags: <defaults>
</compile_context>

<pallas_src>
import functools

import jax
import jax.numpy as jnp
from jax import lax
from jax.experimental import pallas as pl
from jax.experimental.pallas import tpu as pltpu
from jax.experimental.pallas import tpu_sc as plsc

_NUM_CORES = 2
_NUM_SUBCORES = 16
_NW = _NUM_CORES * _NUM_SUBCORES
_CHUNK = 128
_NRING = 5
_DEPTH = 2


def _emb_body(table_hbm, idx_hbm, out_hbm, idx_v, *scratch, cpw):
    rows = scratch[:_NRING]
    gsems = scratch[_NRING:2 * _NRING]
    wsems = scratch[2 * _NRING:3 * _NRING]

    wid = lax.axis_index("s") * _NUM_CORES + lax.axis_index("c")
    c0 = wid * cpw
    pltpu.sync_copy(idx_hbm.at[wid], idx_v)

    def start_gather(g, b):
        pltpu.async_copy(table_hbm.at[idx_v.at[g]], rows[b], gsems[b])

    def wait_gather(g, b):
        pltpu.make_async_copy(table_hbm.at[idx_v.at[g]], rows[b],
                              gsems[b]).wait()

    def start_wb(g, b):
        pltpu.async_copy(rows[b], out_hbm.at[pl.ds((c0 + g) * _CHUNK, _CHUNK)],
                         wsems[b])

    def wait_wb(g, b):
        pltpu.make_async_copy(rows[b],
                              out_hbm.at[pl.ds((c0 + g) * _CHUNK, _CHUNK)],
                              wsems[b]).wait()

    def iteration(k, b_k, b_lead, steady):
        lead = k + _DEPTH
        if steady or (_NRING <= lead < cpw):
            wait_wb(lead - _NRING, b_lead)
            start_gather(lead, b_lead)
        elif lead < cpw:
            start_gather(lead, b_lead)
        wait_gather(k, b_k)
        start_wb(k, b_k)

    for k in range(_DEPTH):
        start_gather(k, k % _NRING)

    lo = _NRING - _DEPTH
    hi = cpw - _DEPTH
    lo_t = -(-lo // _NRING)
    hi_t = hi // _NRING

    for k in range(0, lo_t * _NRING):
        iteration(k, k % _NRING, (k + _DEPTH) % _NRING, False)

    @pl.loop(0, hi_t - lo_t)
    def _(i):
        for s in range(_NRING):
            iteration((lo_t + i) * _NRING + s, s, (s + _DEPTH) % _NRING, True)

    for k in range(hi_t * _NRING, cpw):
        iteration(k, k % _NRING, (k + _DEPTH) % _NRING, False)

    for g in range(cpw - _NRING, cpw):
        wait_wb(g, g % _NRING)


def kernel(x, word_vectors):
    batch, hist = x.shape
    vocab, dim = word_vectors.shape
    total = batch * hist
    assert total % (_NW * _CHUNK) == 0
    cpw = total // _CHUNK // _NW
    assert cpw % _NRING == 0 and cpw // _NRING >= 2

    idx3d = x.T.reshape(_NW, cpw, _CHUNK).astype(jnp.int32)

    run = pl.kernel(
        functools.partial(_emb_body, cpw=cpw),
        out_type=jax.ShapeDtypeStruct((total, dim), jnp.float32),
        mesh=plsc.VectorSubcoreMesh(core_axis_name="c", subcore_axis_name="s"),
        scratch_types=(
            [pltpu.VMEM((cpw, _CHUNK), jnp.int32)]
            + [pltpu.VMEM((_CHUNK, dim), jnp.float32)] * _NRING
            + [pltpu.SemaphoreType.DMA] * (2 * _NRING)
        ),
    )
    out = run(word_vectors, idx3d)
    return out.reshape(hist, batch, dim).transpose(1, 0, 2)

# --- scband reference (transcript-rebuilt; emitter-appended) ---
"""Pipeline reference for scband-embedding-919123001441 (READ-ONLY COPY).

The authoritative reference and input builder live on the scoring server;
editing this copy changes nothing except your own understanding.
"""

import jax, jax.numpy as jnp
import numpy as np

VOCAB = 100000
EMBED_DIM = 128
BATCH = 4096
HIST = 50

def setup_inputs(seed: int = 0) -> dict:
    key = jax.random.key(seed)
    k1, k2 = jax.random.split(key)
    x = jax.random.randint(k1, (BATCH, HIST), 0, VOCAB, dtype=jnp.int64 if jax.config.read('jax_enable_x64') else jnp.int32)
    word_vectors = jax.random.normal(k2, (VOCAB, EMBED_DIM), dtype=jnp.float32)
    return {"x": x, "word_vectors": word_vectors}

def reference(x, word_vectors):
    # forward: emb = embed(x); dropout in eval mode is identity
    emb = jnp.take(word_vectors, x, axis=0)
    return emb

if __name__ == "__main__":
    import jax
    _d = setup_inputs()
    print(jax.jit(kernel)(*tuple(_d.values())))

</pallas_src>

<mosaic_0001>
#map = affine_map<(d0, d1) -> (0, 0)>
#map1 = affine_map<(d0, d1) -> (0, 0, 0)>
module attributes {stable_mosaic.version = 14 : i64} {
  func.func @_emb_body(%arg0: i32, %arg1: i32, %arg2: memref<100000x128xf32, #tpu.memory_space<hbm>>, %arg3: memref<32x50x128xi32, #tpu.memory_space<hbm>>, %arg4: memref<204800x128xf32, #tpu.memory_space<hbm>>, %arg5: memref<50x128xi32, #tpu.memory_space<vmem>>, %arg6: memref<128x128xf32, #tpu.memory_space<vmem>>, %arg7: memref<128x128xf32, #tpu.memory_space<vmem>>, %arg8: memref<128x128xf32, #tpu.memory_space<vmem>>, %arg9: memref<128x128xf32, #tpu.memory_space<vmem>>, %arg10: memref<128x128xf32, #tpu.memory_space<vmem>>, %arg11: memref<!tpu.dma_semaphore, #tpu.memory_space<semaphore_mem>>, %arg12: memref<!tpu.dma_semaphore, #tpu.memory_space<semaphore_mem>>, %arg13: memref<!tpu.dma_semaphore, #tpu.memory_space<semaphore_mem>>, %arg14: memref<!tpu.dma_semaphore, #tpu.memory_space<semaphore_mem>>, %arg15: memref<!tpu.dma_semaphore, #tpu.memory_space<semaphore_mem>>, %arg16: memref<!tpu.dma_semaphore, #tpu.memory_space<semaphore_mem>>, %arg17: memref<!tpu.dma_semaphore, #tpu.memory_space<semaphore_mem>>, %arg18: memref<!tpu.dma_semaphore, #tpu.memory_space<semaphore_mem>>, %arg19: memref<!tpu.dma_semaphore, #tpu.memory_space<semaphore_mem>>, %arg20: memref<!tpu.dma_semaphore, #tpu.memory_space<semaphore_mem>>) attributes {dimension_semantics = [#tpu.dimension_semantics<core_parallel>, #tpu.dimension_semantics<subcore_parallel>], iteration_bounds = array<i64: 2, 16>, scalar_prefetch = 0 : i64, scratch_operands = 16 : i64, tpu.core_type = #tpu.core_type<sc_vector_subcore>, window_params = [{transform_indices = #map}, {transform_indices = #map1}, {transform_indices = #map}]} {
    %mul3A = arith.constant 2 : i32
    %mul3A_0 = arith.muli %arg1, %mul3A : i32
    %add3A = arith.addi %mul3A_0, %arg0 : i32
    %mul3A_1 = arith.constant 50 : i32
    %mul3A_2 = arith.muli %add3A, %mul3A_1 : i32
    "tpu.region"() ({
      %run_scoped3A = tpu.sem_alloc : memref<!tpu.dma_semaphore, #tpu.memory_space<semaphore_mem>>
      %dma_start3A_305 = arith.constant 0 : i32
      %dma_start3A_306 = arith.constant 0 : i32
      %dma_start3A_307 = tpu.memref_slice %arg3[%add3A, %dma_start3A_305, %dma_start3A_306] : memref<32x50x128xi32, #tpu.memory_space<hbm>> -> memref<1x50x128xi32, #tpu.memory_space<hbm>>
      %dma_start3A_308 = tpu.memref_squeeze %dma_start3A_307 : memref<1x50x128xi32, #tpu.memory_space<hbm>> -> memref<50x128xi32, #tpu.memory_space<hbm>>
      %dma_start3A_309 = arith.constant 0 : i32
      %dma_start3A_310 = arith.constant 0 : i32
      %dma_start3A_311 = tpu.memref_slice %arg3[%add3A, %dma_start3A_309, %dma_start3A_310] : memref<32x50x128xi32, #tpu.memory_space<hbm>> -> memref<1x50x128xi32, #tpu.memory_space<hbm>>
      %dma_start3A_312 = tpu.memref_squeeze %dma_start3A_311 : memref<1x50x128xi32, #tpu.memory_space<hbm>> -> memref<50x128xi32, #tpu.memory_space<hbm>>
      tpu.enqueue_dma source(%dma_start3A_312 : memref<50x128xi32, #tpu.memory_space<hbm>>) target(%arg5 : memref<50x128xi32, #tpu.memory_space<vmem>>) target_semaphore(%run_scoped3A : memref<!tpu.dma_semaphore, #tpu.memory_space<semaphore_mem>>)
      %dma_wait3A_313 = arith.constant 0 : i32
      %dma_wait3A_314 = arith.constant 0 : i32
      %dma_wait3A_315 = tpu.memref_slice %arg3[%add3A, %dma_wait3A_313, %dma_wait3A_314] : memref<32x50x128xi32, #tpu.memory_space<hbm>> -> memref<1x50x128xi32, #tpu.memory_space<hbm>>
      %dma_wait3A_316 = tpu.memref_squeeze %dma_wait3A_315 : memref<1x50x128xi32, #tpu.memory_space<hbm>> -> memref<50x128xi32, #tpu.memory_space<hbm>>
      %dma_wait3A_317 = arith.constant 0 : i32
      %dma_wait3A_318 = arith.constant 0 : i32
      %dma_wait3A_319 = tpu.memref_slice %arg3[%add3A, %dma_wait3A_317, %dma_wait3A_318] : memref<32x50x128xi32, #tpu.memory_space<hbm>> -> memref<1x50x128xi32, #tpu.memory_space<hbm>>
      %dma_wait3A_320 = tpu.memref_squeeze %dma_wait3A_319 : memref<1x50x128xi32, #tpu.memory_space<hbm>> -> memref<50x128xi32, #tpu.memory_space<hbm>>
      tpu.wait_dma2 semaphore(%run_scoped3A : memref<!tpu.dma_semaphore, #tpu.memory_space<semaphore_mem>>) src(%dma_wait3A_320 : memref<50x128xi32, #tpu.memory_space<hbm>>) dst(%arg5 : memref<50x128xi32, #tpu.memory_space<vmem>>)
      tpu.yield
    }) : () -> ()
    %dma_start3A = arith.constant 0 : i32
    %dma_start3A_3 = arith.constant 0 : i32
    %dma_start3A_4 = tpu.memref_slice %arg5[%dma_start3A, %dma_start3A_3] : memref<50x128xi32, #tpu.memory_space<vmem>> -> memref<1x128xi32, #tpu.memory_space<vmem>>
    %dma_start3A_5 = tpu.memref_squeeze %dma_start3A_4 : memref<1x128xi32, #tpu.memory_space<vmem>> -> memref<128xi32, #tpu.memory_space<vmem>>
    %dma_start3A_6 = arith.constant 0 : i32
    %dma_start3A_7 = arith.constant 0 : i32
    %dma_start3A_8 = tpu.memref_slice %arg2[%dma_start3A_6, %dma_start3A_7] : memref<100000x128xf32, #tpu.memory_space<hbm>> -> memref<100000x128xf32, #tpu.memory_space<hbm>>
    tpu.enqueue_indirect_dma source(%dma_start3A_8 : memref<100000x128xf32, #tpu.memory_space<hbm>>) target(%arg6 : memref<128x128xf32, #tpu.memory_space<vmem>>) offsets(%dma_start3A_5 : memref<128xi32, #tpu.memory_space<vmem>>) semaphore(%arg11 : memref<!tpu.dma_semaphore, #tpu.memory_space<semaphore_mem>>)
    %dma_start3A_9 = arith.constant 1 : i32
    %dma_start3A_10 = arith.constant 0 : i32
    %dma_start3A_11 = tpu.memref_slice %arg5[%dma_start3A_9, %dma_start3A_10] : memref<50x128xi32, #tpu.memory_space<vmem>> -> memref<1x128xi32, #tpu.memory_space<vmem>>
    %dma_start3A_12 = tpu.memref_squeeze %dma_start3A_11 : memref<1x128xi32, #tpu.memory_space<vmem>> -> memref<128xi32, #tpu.memory_space<vmem>>
    %dma_start3A_13 = arith.constant 0 : i32
    %dma_start3A_14 = arith.constant 0 : i32
    %dma_start3A_15 = tpu.memref_slice %arg2[%dma_start3A_13, %dma_start3A_14] : memref<100000x128xf32, #tpu.memory_space<hbm>> -> memref<100000x128xf32, #tpu.memory_space<hbm>>
    tpu.enqueue_indirect_dma source(%dma_start3A_15 : memref<100000x128xf32, #tpu.memory_space<hbm>>) target(%arg7 : memref<128x128xf32, #tpu.memory_space<vmem>>) offsets(%dma_start3A_12 : memref<128xi32, #tpu.memory_space<vmem>>) semaphore(%arg12 : memref<!tpu.dma_semaphore, #tpu.memory_space<semaphore_mem>>)
    %dma_start3A_16 = arith.constant 2 : i32
    %dma_start3A_17 = arith.constant 0 : i32
    %dma_start3A_18 = tpu.memref_slice %arg5[%dma_start3A_16, %dma_start3A_17] : memref<50x128xi32, #tpu.memory_space<vmem>> -> memref<1x128xi32, #tpu.memory_space<vmem>>
    %dma_start3A_19 = tpu.memref_squeeze %dma_start3A_18 : memref<1x128xi32, #tpu.memory_space<vmem>> -> memref<128xi32, #tpu.memory_space<vmem>>
    %dma_start3A_20 = arith.constant 0 : i32
    %dma_start3A_21 = arith.constant 0 : i32
    %dma_start3A_22 = tpu.memref_slice %arg2[%dma_start3A_20, %dma_start3A_21] : memref<100000x128xf32, #tpu.memory_space<hbm>> -> memref<100000x128xf32, #tpu.memory_space<hbm>>
    tpu.enqueue_indirect_dma source(%dma_start3A_22 : memref<100000x128xf32, #tpu.memory_space<hbm>>) target(%arg8 : memref<128x128xf32, #tpu.memory_space<vmem>>) offsets(%dma_start3A_19 : memref<128xi32, #tpu.memory_space<vmem>>) semaphore(%arg13 : memref<!tpu.dma_semaphore, #tpu.memory_space<semaphore_mem>>)
    %dma_wait3A = arith.constant 0 : i32
    %dma_wait3A_23 = arith.constant 0 : i32
    %dma_wait3A_24 = tpu.memref_slice %arg5[%dma_wait3A, %dma_wait3A_23] : memref<50x128xi32, #tpu.memory_space<vmem>> -> memref<1x128xi32, #tpu.memory_space<vmem>>
    %dma_wait3A_25 = tpu.memref_squeeze %dma_wait3A_24 : memref<1x128xi32, #tpu.memory_space<vmem>> -> memref<128xi32, #tpu.memory_space<vmem>>
    %dma_wait3A_26 = arith.constant 0 : i32
    %dma_wait3A_27 = arith.constant 0 : i32
    %dma_wait3A_28 = tpu.memref_slice %arg2[%dma_wait3A_26, %dma_wait3A_27] : memref<100000x128xf32, #tpu.memory_space<hbm>> -> memref<100000x128xf32, #tpu.memory_space<hbm>>
    tpu.wait_indirect_dma semaphore(%arg11 : memref<!tpu.dma_semaphore, #tpu.memory_space<semaphore_mem>>) src(%dma_wait3A_28 : memref<100000x128xf32, #tpu.memory_space<hbm>>) dst(%arg6 : memref<128x128xf32, #tpu.memory_space<vmem>>)
    %add3A_29 = arith.constant 0 : i32
    %add3A_30 = arith.addi %mul3A_2, %add3A_29 : i32
    %mul3A_31 = arith.constant 128 : i32
    %mul3A_32 = arith.muli %add3A_30, %mul3A_31 : i32
    %dma_start3A_33 = arith.constant 0 : i32
    %dma_start3A_34 = tpu.memref_slice %arg4[%mul3A_32, %dma_start3A_33] : memref<204800x128xf32, #tpu.memory_space<hbm>> -> memref<128x128xf32, #tpu.memory_space<hbm>>
    %dma_start3A_35 = arith.constant 0 : i32
    %dma_start3A_36 = tpu.memref_slice %arg4[%mul3A_32, %dma_start3A_35] : memref<204800x128xf32, #tpu.memory_space<hbm>> -> memref<128x128xf32, #tpu.memory_space<hbm>>
    tpu.enqueue_dma source(%arg6 : memref<128x128xf32, #tpu.memory_space<vmem>>) target(%dma_start3A_36 : memref<128x128xf32, #tpu.memory_space<hbm>>) target_semaphore(%arg16 : memref<!tpu.dma_semaphore, #tpu.memory_space<semaphore_mem>>)
    %dma_start3A_37 = arith.constant 3 : i32
    %dma_start3A_38 = arith.constant 0 : i32
    %dma_start3A_39 = tpu.memref_slice %arg5[%dma_start3A_37, %dma_start3A_38] : memref<50x128xi32, #tpu.memory_space<vmem>> -> memref<1x128xi32, #tpu.memory_space<vmem>>
    %dma_start3A_40 = tpu.memref_squeeze %dma_start3A_39 : memref<1x128xi32, #tpu.memory_space<vmem>> -> memref<128xi32, #tpu.memory_space<vmem>>
    %dma_start3A_41 = arith.constant 0 : i32
    %dma_start3A_42 = arith.constant 0 : i32
    %dma_start3A_43 = tpu.memref_slice %arg2[%dma_start3A_41, %dma_start3A_42] : memref<100000x128xf32, #tpu.memory_space<hbm>> -> memref<100000x128xf32, #tpu.memory_space<hbm>>
    tpu.enqueue_indirect_dma source(%dma_start3A_43 : memref<100000x128xf32, #tpu.memory_space<hbm>>) target(%arg9 : memref<128x128xf32, #tpu.memory_space<vmem>>) offsets(%dma_start3A_40 : memref<128xi32, #tpu.memory_space<vmem>>) semaphore(%arg14 : memref<!tpu.dma_semaphore, #tpu.memory_space<semaphore_mem>>)
    %dma_wait3A_44 = arith.constant 1 : i32
    %dma_wait3A_45 = arith.constant 0 : i32
    %dma_wait3A_46 = tpu.memref_slice %arg5[%dma_wait3A_44, %dma_wait3A_45] : memref<50x128xi32, #tpu.memory_space<vmem>> -> memref<1x128xi32, #tpu.memory_space<vmem>>
    %dma_wait3A_47 = tpu.memref_squeeze %dma_wait3A_46 : memref<1x128xi32, #tpu.memory_space<vmem>> -> memref<128xi32, #tpu.memory_space<vmem>>
    %dma_wait3A_48 = arith.constant 0 : i32
    %dma_wait3A_49 = arith.constant 0 : i32
    %dma_wait3A_50 = tpu.memref_slice %arg2[%dma_wait3A_48, %dma_wait3A_49] : memref<100000x128xf32, #tpu.memory_space<hbm>> -> memref<100000x128xf32, #tpu.memory_space<hbm>>
    tpu.wait_indirect_dma semaphore(%arg12 : memref<!tpu.dma_semaphore, #tpu.memory_space<semaphore_mem>>) src(%dma_wait3A_50 : memref<100000x128xf32, #tpu.memory_space<hbm>>) dst(%arg7 : memref<128x128xf32, #tpu.memory_space<vmem>>)
    %add3A_51 = arith.constant 1 : i32
    %add3A_52 = arith.addi %mul3A_2, %add3A_51 : i32
    %mul3A_53 = arith.constant 128 : i32
    %mul3A_54 = arith.muli %add3A_52, %mul3A_53 : i32
    %dma_start3A_55 = arith.constant 0 : i32
    %dma_start3A_56 = tpu.memref_slice %arg4[%mul3A_54, %dma_start3A_55] : memref<204800x128xf32, #tpu.memory_space<hbm>> -> memref<128x128xf32, #tpu.memory_space<hbm>>
    %dma_start3A_57 = arith.constant 0 : i32
    %dma_start3A_58 = tpu.memref_slice %arg4[%mul3A_54, %dma_start3A_57] : memref<204800x128xf32, #tpu.memory_space<hbm>> -> memref<128x128xf32, #tpu.memory_space<hbm>>
    tpu.enqueue_dma source(%arg7 : memref<128x128xf32, #tpu.memory_space<vmem>>) target(%dma_start3A_58 : memref<128x128xf32, #tpu.memory_space<hbm>>) target_semaphore(%arg17 : memref<!tpu.dma_semaphore, #tpu.memory_space<semaphore_mem>>)
    %dma_start3A_59 = arith.constant 4 : i32
    %dma_start3A_60 = arith.constant 0 : i32
    %dma_start3A_61 = tpu.memref_slice %arg5[%dma_start3A_59, %dma_start3A_60] : memref<50x128xi32, #tpu.memory_space<vmem>> -> memref<1x128xi32, #tpu.memory_space<vmem>>
    %dma_start3A_62 = tpu.memref_squeeze %dma_start3A_61 : memref<1x128xi32, #tpu.memory_space<vmem>> -> memref<128xi32, #tpu.memory_space<vmem>>
    %dma_start3A_63 = arith.constant 0 : i32
    %dma_start3A_64 = arith.constant 0 : i32
    %dma_start3A_65 = tpu.memref_slice %arg2[%dma_start3A_63, %dma_start3A_64] : memref<100000x128xf32, #tpu.memory_space<hbm>> -> memref<100000x128xf32, #tpu.memory_space<hbm>>
    tpu.enqueue_indirect_dma source(%dma_start3A_65 : memref<100000x128xf32, #tpu.memory_space<hbm>>) target(%arg10 : memref<128x128xf32, #tpu.memory_space<vmem>>) offsets(%dma_start3A_62 : memref<128xi32, #tpu.memory_space<vmem>>) semaphore(%arg15 : memref<!tpu.dma_semaphore, #tpu.memory_space<semaphore_mem>>)
    %dma_wait3A_66 = arith.constant 2 : i32
    %dma_wait3A_67 = arith.constant 0 : i32
    %dma_wait3A_68 = tpu.memref_slice %arg5[%dma_wait3A_66, %dma_wait3A_67] : memref<50x128xi32, #tpu.memory_space<vmem>> -> memref<1x128xi32, #tpu.memory_space<vmem>>
    %dma_wait3A_69 = tpu.memref_squeeze %dma_wait3A_68 : memref<1x128xi32, #tpu.memory_space<vmem>> -> memref<128xi32, #tpu.memory_space<vmem>>
    %dma_wait3A_70 = arith.constant 0 : i32
    %dma_wait3A_71 = arith.constant 0 : i32
    %dma_wait3A_72 = tpu.memref_slice %arg2[%dma_wait3A_70, %dma_wait3A_71] : memref<100000x128xf32, #tpu.memory_space<hbm>> -> memref<100000x128xf32, #tpu.memory_space<hbm>>
    tpu.wait_indirect_dma semaphore(%arg13 : memref<!tpu.dma_semaphore, #tpu.memory_space<semaphore_mem>>) src(%dma_wait3A_72 : memref<100000x128xf32, #tpu.memory_space<hbm>>) dst(%arg8 : memref<128x128xf32, #tpu.memory_space<vmem>>)
    %add3A_73 = arith.constant 2 : i32
    %add3A_74 = arith.addi %mul3A_2, %add3A_73 : i32
    %mul3A_75 = arith.constant 128 : i32
    %mul3A_76 = arith.muli %add3A_74, %mul3A_75 : i32
    %dma_start3A_77 = arith.constant 0 : i32
    %dma_start3A_78 = tpu.memref_slice %arg4[%mul3A_76, %dma_start3A_77] : memref<204800x128xf32, #tpu.memory_space<hbm>> -> memref<128x128xf32, #tpu.memory_space<hbm>>
    %dma_start3A_79 = arith.constant 0 : i32
    %dma_start3A_80 = tpu.memref_slice %arg4[%mul3A_76, %dma_start3A_79] : memref<204800x128xf32, #tpu.memory_space<hbm>> -> memref<128x128xf32, #tpu.memory_space<hbm>>
    tpu.enqueue_dma source(%arg8 : memref<128x128xf32, #tpu.memory_space<vmem>>) target(%dma_start3A_80 : memref<128x128xf32, #tpu.memory_space<hbm>>) target_semaphore(%arg18 : memref<!tpu.dma_semaphore, #tpu.memory_space<semaphore_mem>>)
    %add3A_81 = arith.constant 0 : i32
    %add3A_82 = arith.addi %mul3A_2, %add3A_81 : i32
    %mul3A_83 = arith.constant 128 : i32
    %mul3A_84 = arith.muli %add3A_82, %mul3A_83 : i32
    %dma_wait3A_85 = arith.constant 0 : i32
    %dma_wait3A_86 = tpu.memref_slice %arg4[%mul3A_84, %dma_wait3A_85] : memref<204800x128xf32, #tpu.memory_space<hbm>> -> memref<128x128xf32, #tpu.memory_space<hbm>>
    %dma_wait3A_87 = arith.constant 0 : i32
    %dma_wait3A_88 = tpu.memref_slice %arg4[%mul3A_84, %dma_wait3A_87] : memref<204800x128xf32, #tpu.memory_space<hbm>> -> memref<128x128xf32, #tpu.memory_space<hbm>>
    tpu.wait_dma2 semaphore(%arg16 : memref<!tpu.dma_semaphore, #tpu.memory_space<semaphore_mem>>) src(%arg6 : memref<128x128xf32, #tpu.memory_space<vmem>>) dst(%dma_wait3A_88 : memref<128x128xf32, #tpu.memory_space<hbm>>)
    %dma_start3A_89 = arith.constant 5 : i32
    %dma_start3A_90 = arith.constant 0 : i32
    %dma_start3A_91 = tpu.memref_slice %arg5[%dma_start3A_89, %dma_start3A_90] : memref<50x128xi32, #tpu.memory_space<vmem>> -> memref<1x128xi32, #tpu.memory_space<vmem>>
    %dma_start3A_92 = tpu.memref_squeeze %dma_start3A_91 : memref<1x128xi32, #tpu.memory_space<vmem>> -> memref<128xi32, #tpu.memory_space<vmem>>
    %dma_start3A_93 = arith.constant 0 : i32
    %dma_start3A_94 = arith.constant 0 : i32
    %dma_start3A_95 = tpu.memref_slice %arg2[%dma_start3A_93, %dma_start3A_94] : memref<100000x128xf32, #tpu.memory_space<hbm>> -> memref<100000x128xf32, #tpu.memory_space<hbm>>
    tpu.enqueue_indirect_dma source(%dma_start3A_95 : memref<100000x128xf32, #tpu.memory_space<hbm>>) target(%arg6 : memref<128x128xf32, #tpu.memory_space<vmem>>) offsets(%dma_start3A_92 : memref<128xi32, #tpu.memory_space<vmem>>) semaphore(%arg11 : memref<!tpu.dma_semaphore, #tpu.memory_space<semaphore_mem>>)
    %dma_wait3A_96 = arith.constant 3 : i32
    %dma_wait3A_97 = arith.constant 0 : i32
    %dma_wait3A_98 = tpu.memref_slice %arg5[%dma_wait3A_96, %dma_wait3A_97] : memref<50x128xi32, #tpu.memory_space<vmem>> -> memref<1x128xi32, #tpu.memory_space<vmem>>
    %dma_wait3A_99 = tpu.memref_squeeze %dma_wait3A_98 : memref<1x128xi32, #tpu.memory_space<vmem>> -> memref<128xi32, #tpu.memory_space<vmem>>
    %dma_wait3A_100 = arith.constant 0 : i32
    %dma_wait3A_101 = arith.constant 0 : i32
    %dma_wait3A_102 = tpu.memref_slice %arg2[%dma_wait3A_100, %dma_wait3A_101] : memref<100000x128xf32, #tpu.memory_space<hbm>> -> memref<100000x128xf32, #tpu.memory_space<hbm>>
    tpu.wait_indirect_dma semaphore(%arg14 : memref<!tpu.dma_semaphore, #tpu.memory_space<semaphore_mem>>) src(%dma_wait3A_102 : memref<100000x128xf32, #tpu.memory_space<hbm>>) dst(%arg9 : memref<128x128xf32, #tpu.memory_space<vmem>>)
    %add3A_103 = arith.constant 3 : i32
    %add3A_104 = arith.addi %mul3A_2, %add3A_103 : i32
    %mul3A_105 = arith.constant 128 : i32
    %mul3A_106 = arith.muli %add3A_104, %mul3A_105 : i32
    %dma_start3A_107 = arith.constant 0 : i32
    %dma_start3A_108 = tpu.memref_slice %arg4[%mul3A_106, %dma_start3A_107] : memref<204800x128xf32, #tpu.memory_space<hbm>> -> memref<128x128xf32, #tpu.memory_space<hbm>>
    %dma_start3A_109 = arith.constant 0 : i32
    %dma_start3A_110 = tpu.memref_slice %arg4[%mul3A_106, %dma_start3A_109] : memref<204800x128xf32, #tpu.memory_space<hbm>> -> memref<128x128xf32, #tpu.memory_space<hbm>>
    tpu.enqueue_dma source(%arg9 : memref<128x128xf32, #tpu.memory_space<vmem>>) target(%dma_start3A_110 : memref<128x128xf32, #tpu.memory_space<hbm>>) target_semaphore(%arg19 : memref<!tpu.dma_semaphore, #tpu.memory_space<semaphore_mem>>)
    %add3A_111 = arith.constant 1 : i32
    %add3A_112 = arith.addi %mul3A_2, %add3A_111 : i32
    %mul3A_113 = arith.constant 128 : i32
    %mul3A_114 = arith.muli %add3A_112, %mul3A_113 : i32
    %dma_wait3A_115 = arith.constant 0 : i32
    %dma_wait3A_116 = tpu.memref_slice %arg4[%mul3A_114, %dma_wait3A_115] : memref<204800x128xf32, #tpu.memory_space<hbm>> -> memref<128x128xf32, #tpu.memory_space<hbm>>
    %dma_wait3A_117 = arith.constant 0 : i32
    %dma_wait3A_118 = tpu.memref_slice %arg4[%mul3A_114, %dma_wait3A_117] : memref<204800x128xf32, #tpu.memory_space<hbm>> -> memref<128x128xf32, #tpu.memory_space<hbm>>
    tpu.wait_dma2 semaphore(%arg17 : memref<!tpu.dma_semaphore, #tpu.memory_space<semaphore_mem>>) src(%arg7 : memref<128x128xf32, #tpu.memory_space<vmem>>) dst(%dma_wait3A_118 : memref<128x128xf32, #tpu.memory_space<hbm>>)
    %dma_start3A_119 = arith.constant 6 : i32
    %dma_start3A_120 = arith.constant 0 : i32
    %dma_start3A_121 = tpu.memref_slice %arg5[%dma_start3A_119, %dma_start3A_120] : memref<50x128xi32, #tpu.memory_space<vmem>> -> memref<1x128xi32, #tpu.memory_space<vmem>>
    %dma_start3A_122 = tpu.memref_squeeze %dma_start3A_121 : memref<1x128xi32, #tpu.memory_space<vmem>> -> memref<128xi32, #tpu.memory_space<vmem>>
    %dma_start3A_123 = arith.constant 0 : i32
    %dma_start3A_124 = arith.constant 0 : i32
    %dma_start3A_125 = tpu.memref_slice %arg2[%dma_start3A_123, %dma_start3A_124] : memref<100000x128xf32, #tpu.memory_space<hbm>> -> memref<100000x128xf32, #tpu.memory_space<hbm>>
    tpu.enqueue_indirect_dma source(%dma_start3A_125 : memref<100000x128xf32, #tpu.memory_space<hbm>>) target(%arg7 : memref<128x128xf32, #tpu.memory_space<vmem>>) offsets(%dma_start3A_122 : memref<128xi32, #tpu.memory_space<vmem>>) semaphore(%arg12 : memref<!tpu.dma_semaphore, #tpu.memory_space<semaphore_mem>>)
    %dma_wait3A_126 = arith.constant 4 : i32
    %dma_wait3A_127 = arith.constant 0 : i32
    %dma_wait3A_128 = tpu.memref_slice %arg5[%dma_wait3A_126, %dma_wait3A_127] : memref<50x128xi32, #tpu.memory_space<vmem>> -> memref<1x128xi32, #tpu.memory_space<vmem>>
    %dma_wait3A_129 = tpu.memref_squeeze %dma_wait3A_128 : memref<1x128xi32, #tpu.memory_space<vmem>> -> memref<128xi32, #tpu.memory_space<vmem>>
    %dma_wait3A_130 = arith.constant 0 : i32
    %dma_wait3A_131 = arith.constant 0 : i32
    %dma_wait3A_132 = tpu.memref_slice %arg2[%dma_wait3A_130, %dma_wait3A_131] : memref<100000x128xf32, #tpu.memory_space<hbm>> -> memref<100000x128xf32, #tpu.memory_space<hbm>>
    tpu.wait_indirect_dma semaphore(%arg15 : memref<!tpu.dma_semaphore, #tpu.memory_space<semaphore_mem>>) src(%dma_wait3A_132 : memref<100000x128xf32, #tpu.memory_space<hbm>>) dst(%arg10 : memref<128x128xf32, #tpu.memory_space<vmem>>)
    %add3A_133 = arith.constant 4 : i32
    %add3A_134 = arith.addi %mul3A_2, %add3A_133 : i32
    %mul3A_135 = arith.constant 128 : i32
    %mul3A_136 = arith.muli %add3A_134, %mul3A_135 : i32
    %dma_start3A_137 = arith.constant 0 : i32
    %dma_start3A_138 = tpu.memref_slice %arg4[%mul3A_136, %dma_start3A_137] : memref<204800x128xf32, #tpu.memory_space<hbm>> -> memref<128x128xf32, #tpu.memory_space<hbm>>
    %dma_start3A_139 = arith.constant 0 : i32
    %dma_start3A_140 = tpu.memref_slice %arg4[%mul3A_136, %dma_start3A_139] : memref<204800x128xf32, #tpu.memory_space<hbm>> -> memref<128x128xf32, #tpu.memory_space<hbm>>
    tpu.enqueue_dma source(%arg10 : memref<128x128xf32, #tpu.memory_space<vmem>>) target(%dma_start3A_140 : memref<128x128xf32, #tpu.memory_space<hbm>>) target_semaphore(%arg20 : memref<!tpu.dma_semaphore, #tpu.memory_space<semaphore_mem>>)
    %scan3A = arith.constant 0 : i32
    %scan3A_141 = arith.constant 8 : i32
    %scan3A_142 = arith.addi %scan3A, %scan3A_141 : i32
    %scan3A_143 = arith.constant 1 : i32
    scf.for %scan3A_305 = %scan3A to %scan3A_142 step %scan3A_143  : i32 {
      %mul3A_306 = arith.constant 1 : i32
      %mul3A_307 = arith.muli %scan3A_305, %mul3A_306 : i32
      %add3A_308 = arith.constant 0 : i32
      %add3A_309 = arith.addi %add3A_308, %mul3A_307 : i32
      %add3A_310 = arith.constant 1 : i32
      %add3A_311 = arith.addi %add3A_310, %add3A_309 : i32
      %mul3A_312 = arith.constant 5 : i32
      %mul3A_313 = arith.muli %add3A_311, %mul3A_312 : i32
      %add3A_314 = arith.constant 0 : i32
      %add3A_315 = arith.addi %mul3A_313, %add3A_314 : i32
      %add3A_316 = arith.constant 2 : i32
      %add3A_317 = arith.addi %add3A_315, %add3A_316 : i32
      %sub3A = arith.constant 5 : i32
      %sub3A_318 = arith.subi %add3A_317, %sub3A : i32
      %add3A_319 = arith.addi %mul3A_2, %sub3A_318 : i32
      %mul3A_320 = arith.constant 128 : i32
      %mul3A_321 = arith.muli %add3A_319, %mul3A_320 : i32
      %dma_wait3A_322 = arith.constant 0 : i32
      %dma_wait3A_323 = tpu.memref_slice %arg4[%mul3A_321, %dma_wait3A_322] : memref<204800x128xf32, #tpu.memory_space<hbm>> -> memref<128x128xf32, #tpu.memory_space<hbm>>
      %dma_wait3A_324 = arith.constant 0 : i32
      %dma_wait3A_325 = tpu.memref_slice %arg4[%mul3A_321, %dma_wait3A_324] : memref<204800x128xf32, #tpu.memory_space<hbm>> -> memref<128x128xf32, #tpu.memory_space<hbm>>
      tpu.wait_dma2 semaphore(%arg18 : memref<!tpu.dma_semaphore, #tpu.memory_space<semaphore_mem>>) src(%arg8 : memref<128x128xf32, #tpu.memory_space<vmem>>) dst(%dma_wait3A_325 : memref<128x128xf32, #tpu.memory_space<hbm>>)
      %dma_start3A_326 = arith.constant 0 : i32
      %dma_start3A_327 = tpu.memref_slice %arg5[%add3A_317, %dma_start3A_326] : memref<50x128xi32, #tpu.memory_space<vmem>> -> memref<1x128xi32, #tpu.memory_space<vmem>>
      %dma_start3A_328 = tpu.memref_squeeze %dma_start3A_327 : memref<1x128xi32, #tpu.memory_space<vmem>> -> memref<128xi32, #tpu.memory_space<vmem>>
      %dma_start3A_329 = arith.constant 0 : i32
      %dma_start3A_330 = arith.constant 0 : i32
      %dma_start3A_331 = tpu.memref_slice %arg2[%dma_start3A_329, %dma_start3A_330] : memref<100000x128xf32, #tpu.memory_space<hbm>> -> memref<100000x128xf32, #tpu.memory_space<hbm>>
      tpu.enqueue_indirect_dma source(%dma_start3A_331 : memref<100000x128xf32, #tpu.memory_space<hbm>>) target(%arg8 : memref<128x128xf32, #tpu.memory_space<vmem>>) offsets(%dma_start3A_328 : memref<128xi32, #tpu.memory_space<vmem>>) semaphore(%arg13 : memref<!tpu.dma_semaphore, #tpu.memory_space<semaphore_mem>>)
      %dma_wait3A_332 = arith.constant 0 : i32
      %dma_wait3A_333 = tpu.memref_slice %arg5[%add3A_315, %dma_wait3A_332] : memref<50x128xi32, #tpu.memory_space<vmem>> -> memref<1x128xi32, #tpu.memory_space<vmem>>
      %dma_wait3A_334 = tpu.memref_squeeze %dma_wait3A_333 : memref<1x128xi32, #tpu.memory_space<vmem>> -> memref<128xi32, #tpu.memory_space<vmem>>
      %dma_wait3A_335 = arith.constant 0 : i32
      %dma_wait3A_336 = arith.constant 0 : i32
      %dma_wait3A_337 = tpu.memref_slice %arg2[%dma_wait3A_335, %dma_wait3A_336] : memref<100000x128xf32, #tpu.memory_space<hbm>> -> memref<100000x128xf32, #tpu.memory_space<hbm>>
      tpu.wait_indirect_dma semaphore(%arg11 : memref<!tpu.dma_semaphore, #tpu.memory_space<semaphore_mem>>) src(%dma_wait3A_337 : memref<100000x128xf32, #tpu.memory_space<hbm>>) dst(%arg6 : memref<128x128xf32, #tpu.memory_space<vmem>>)
      %add3A_338 = arith.addi %mul3A_2, %add3A_315 : i32
      %mul3A_339 = arith.constant 128 : i32
      %mul3A_340 = arith.muli %add3A_338, %mul3A_339 : i32
      %dma_start3A_341 = arith.constant 0 : i32
      %dma_start3A_342 = tpu.memref_slice %arg4[%mul3A_340, %dma_start3A_341] : memref<204800x128xf32, #tpu.memory_space<hbm>> -> memref<128x128xf32, #tpu.memory_space<hbm>>
      %dma_start3A_343 = arith.constant 0 : i32
      %dma_start3A_344 = tpu.memref_slice %arg4[%mul3A_340, %dma_start3A_343] : memref<204800x128xf32, #tpu.memory_space<hbm>> -> memref<128x128xf32, #tpu.memory_space<hbm>>
      tpu.enqueue_dma source(%arg6 : memref<128x128xf32, #tpu.memory_space<vmem>>) target(%dma_start3A_344 : memref<128x128xf32, #tpu.memory_space<hbm>>) target_semaphore(%arg16 : memref<!tpu.dma_semaphore, #tpu.memory_space<semaphore_mem>>)
      %add3A_345 = arith.constant 1 : i32
      %add3A_346 = arith.addi %add3A_345, %add3A_309 : i32
      %mul3A_347 = arith.constant 5 : i32
      %mul3A_348 = arith.muli %add3A_346, %mul3A_347 : i32
      %add3A_349 = arith.constant 1 : i32
      %add3A_350 = arith.addi %mul3A_348, %add3A_349 : i32
      %add3A_351 = arith.constant 2 : i32
      %add3A_352 = arith.addi %add3A_350, %add3A_351 : i32
      %sub3A_353 = arith.constant 5 : i32
      %sub3A_354 = arith.subi %add3A_352, %sub3A_353 : i32
      %add3A_355 = arith.addi %mul3A_2, %sub3A_354 : i32
      %mul3A_356 = arith.constant 128 : i32
      %mul3A_357 = arith.muli %add3A_355, %mul3A_356 : i32
      %dma_wait3A_358 = arith.constant 0 : i32
      %dma_wait3A_359 = tpu.memref_slice %arg4[%mul3A_357, %dma_wait3A_358] : memref<204800x128xf32, #tpu.memory_space<hbm>> -> memref<128x128xf32, #tpu.memory_space<hbm>>
      %dma_wait3A_360 = arith.constant 0 : i32
      %dma_wait3A_361 = tpu.memref_slice %arg4[%mul3A_357, %dma_wait3A_360] : memref<204800x128xf32, #tpu.memory_space<hbm>> -> memref<128x128xf32, #tpu.memory_space<hbm>>
      tpu.wait_dma2 semaphore(%arg19 : memref<!tpu.dma_semaphore, #tpu.memory_space<semaphore_mem>>) src(%arg9 : memref<128x128xf32, #tpu.memory_space<vmem>>) dst(%dma_wait3A_361 : memref<128x128xf32, #tpu.memory_space<hbm>>)
      %dma_start3A_362 = arith.constant 0 : i32
      %dma_start3A_363 = tpu.memref_slice %arg5[%add3A_352, %dma_start3A_362] : memref<50x128xi32, #tpu.memory_space<vmem>> -> memref<1x128xi32, #tpu.memory_space<vmem>>
      %dma_start3A_364 = tpu.memref_squeeze %dma_start3A_363 : memref<1x128xi32, #tpu.memory_space<vmem>> -> memref<128xi32, #tpu.memory_space<vmem>>
      %dma_start3A_365 = arith.constant 0 : i32
      %dma_start3A_366 = arith.constant 0 : i32
      %dma_start3A_367 = tpu.memref_slice %arg2[%dma_start3A_365, %dma_start3A_366] : memref<100000x128xf32, #tpu.memory_space<hbm>> -> memref<100000x128xf32, #tpu.memory_space<hbm>>
      tpu.enqueue_indirect_dma source(%dma_start3A_367 : memref<100000x128xf32, #tpu.memory_space<hbm>>) target(%arg9 : memref<128x128xf32, #tpu.memory_space<vmem>>) offsets(%dma_start3A_364 : memref<128xi32, #tpu.memory_space<vmem>>) semaphore(%arg14 : memref<!tpu.dma_semaphore, #tpu.memory_space<semaphore_mem>>)
      %dma_wait3A_368 = arith.constant 0 : i32
      %dma_wait3A_369 = tpu.memref_slice %arg5[%add3A_350, %dma_wait3A_368] : memref<50x128xi32, #tpu.memory_space<vmem>> -> memref<1x128xi32, #tpu.memory_space<vmem>>
      %dma_wait3A_370 = tpu.memref_squeeze %dma_wait3A_369 : memref<1x128xi32, #tpu.memory_space<vmem>> -> memref<128xi32, #tpu.memory_space<vmem>>
      %dma_wait3A_371 = arith.constant 0 : i32
      %dma_wait3A_372 = arith.constant 0 : i32
      %dma_wait3A_373 = tpu.memref_slice %arg2[%dma_wait3A_371, %dma_wait3A_372] : memref<100000x128xf32, #tpu.memory_space<hbm>> -> memref<100000x128xf32, #tpu.memory_space<hbm>>
      tpu.wait_indirect_dma semaphore(%arg12 : memref<!tpu.dma_semaphore, #tpu.memory_space<semaphore_mem>>) src(%dma_wait3A_373 : memref<100000x128xf32, #tpu.memory_space<hbm>>) dst(%arg7 : memref<128x128xf32, #tpu.memory_space<vmem>>)
      %add3A_374 = arith.addi %mul3A_2, %add3A_350 : i32
      %mul3A_375 = arith.constant 128 : i32
      %mul3A_376 = arith.muli %add3A_374, %mul3A_375 : i32
      %dma_start3A_377 = arith.constant 0 : i32
      %dma_start3A_378 = tpu.memref_slice %arg4[%mul3A_376, %dma_start3A_377] : memref<204800x128xf32, #tpu.memory_space<hbm>> -> memref<128x128xf32, #tpu.memory_space<hbm>>
      %dma_start3A_379 = arith.constant 0 : i32
      %dma_start3A_380 = tpu.memref_slice %arg4[%mul3A_376, %dma_start3A_379] : memref<204800x128xf32, #tpu.memory_space<hbm>> -> memref<128x128xf32, #tpu.memory_space<hbm>>
      tpu.enqueue_dma source(%arg7 : memref<128x128xf32, #tpu.memory_space<vmem>>) target(%dma_start3A_380 : memref<128x128xf32, #tpu.memory_space<hbm>>) target_semaphore(%arg17 : memref<!tpu.dma_semaphore, #tpu.memory_space<semaphore_mem>>)
      %add3A_381 = arith.constant 1 : i32
      %add3A_382 = arith.addi %add3A_381, %add3A_309 : i32
      %mul3A_383 = arith.constant 5 : i32
      %mul3A_384 = arith.muli %add3A_382, %mul3A_383 : i32
      %add3A_385 = arith.constant 2 : i32
      %add3A_386 = arith.addi %mul3A_384, %add3A_385 : i32
      %add3A_387 = arith.constant 2 : i32
      %add3A_388 = arith.addi %add3A_386, %add3A_387 : i32
      %sub3A_389 = arith.constant 5 : i32
      %sub3A_390 = arith.subi %add3A_388, %sub3A_389 : i32
      %add3A_391 = arith.addi %mul3A_2, %sub3A_390 : i32
      %mul3A_392 = arith.constant 128 : i32
      %mul3A_393 = arith.muli %add3A_391, %mul3A_392 : i32
      %dma_wait3A_394 = arith.constant 0 : i32
      %dma_wait3A_395 = tpu.memref_slice %arg4[%mul3A_393, %dma_wait3A_394] : memref<204800x128xf32, #tpu.memory_space<hbm>> -> memref<128x128xf32, #tpu.memory_space<hbm>>
      %dma_wait3A_396 = arith.constant 0 : i32
      %dma_wait3A_397 = tpu.memref_slice %arg4[%mul3A_393, %dma_wait3A_396] : memref<204800x128xf32, #tpu.memory_space<hbm>> -> memref<128x128xf32, #tpu.memory_space<hbm>>
      tpu.wait_dma2 semaphore(%arg20 : memref<!tpu.dma_semaphore, #tpu.memory_space<semaphore_mem>>) src(%arg10 : memref<128x128xf32, #tpu.memory_space<vmem>>) dst(%dma_wait3A_397 : memref<128x128xf32, #tpu.memory_space<hbm>>)
      %dma_start3A_398 = arith.constant 0 : i32
      %dma_start3A_399 = tpu.memref_slice %arg5[%add3A_388, %dma_start3A_398] : memref<50x128xi32, #tpu.memory_space<vmem>> -> memref<1x128xi32, #tpu.memory_space<vmem>>
      %dma_start3A_400 = tpu.memref_squeeze %dma_start3A_399 : memref<1x128xi32, #tpu.memory_space<vmem>> -> memref<128xi32, #tpu.memory_space<vmem>>
      %dma_start3A_401 = arith.constant 0 : i32
      %dma_start3A_402 = arith.constant 0 : i32
      %dma_start3A_403 = tpu.memref_slice %arg2[%dma_start3A_401, %dma_start3A_402] : memref<100000x128xf32, #tpu.memory_space<hbm>> -> memref<100000x128xf32, #tpu.memory_space<hbm>>
      tpu.enqueue_indirect_dma source(%dma_start3A_403 : memref<100000x128xf32, #tpu.memory_space<hbm>>) target(%arg10 : memref<128x128xf32, #tpu.memory_space<vmem>>) offsets(%dma_start3A_400 : memref<128xi32, #tpu.memory_space<vmem>>) semaphore(%arg15 : memref<!tpu.dma_semaphore, #tpu.memory_space<semaphore_mem>>)
      %dma_wait3A_404 = arith.constant 0 : i32
      %dma_wait3A_405 = tpu.memref_slice %arg5[%add3A_386, %dma_wait3A_404] : memref<50x128xi32, #tpu.memory_space<vmem>> -> memref<1x128xi32, #tpu.memory_space<vmem>>
      %dma_wait3A_406 = tpu.memref_squeeze %dma_wait3A_405 : memref<1x128xi32, #tpu.memory_space<vmem>> -> memref<128xi32, #tpu.memory_space<vmem>>
      %dma_wait3A_407 = arith.constant 0 : i32
      %dma_wait3A_408 = arith.constant 0 : i32
      %dma_wait3A_409 = tpu.memref_slice %arg2[%dma_wait3A_407, %dma_wait3A_408] : memref<100000x128xf32, #tpu.memory_space<hbm>> -> memref<100000x128xf32, #tpu.memory_space<hbm>>
      tpu.wait_indirect_dma semaphore(%arg13 : memref<!tpu.dma_semaphore, #tpu.memory_space<semaphore_mem>>) src(%dma_wait3A_409 : memref<100000x128xf32, #tpu.memory_space<hbm>>) dst(%arg8 : memref<128x128xf32, #tpu.memory_space<vmem>>)
      %add3A_410 = arith.addi %mul3A_2, %add3A_386 : i32
      %mul3A_411 = arith.constant 128 : i32
      %mul3A_412 = arith.muli %add3A_410, %mul3A_411 : i32
      %dma_start3A_413 = arith.constant 0 : i32
      %dma_start3A_414 = tpu.memref_slice %arg4[%mul3A_412, %dma_start3A_413] : memref<204800x128xf32, #tpu.memory_space<hbm>> -> memref<128x128xf32, #tpu.memory_space<hbm>>
      %dma_start3A_415 = arith.constant 0 : i32
      %dma_start3A_416 = tpu.memref_slice %arg4[%mul3A_412, %dma_start3A_415] : memref<204800x128xf32, #tpu.memory_space<hbm>> -> memref<128x128xf32, #tpu.memory_space<hbm>>
      tpu.enqueue_dma source(%arg8 : memref<128x128xf32, #tpu.memory_space<vmem>>) target(%dma_start3A_416 : memref<128x128xf32, #tpu.memory_space<hbm>>) target_semaphore(%arg18 : memref<!tpu.dma_semaphore, #tpu.memory_space<semaphore_mem>>)
      %add3A_417 = arith.constant 1 : i32
      %add3A_418 = arith.addi %add3A_417, %add3A_309 : i32
      %mul3A_419 = arith.constant 5 : i32
      %mul3A_420 = arith.muli %add3A_418, %mul3A_419 : i32
      %add3A_421 = arith.constant 3 : i32
      %add3A_422 = arith.addi %mul3A_420, %add3A_421 : i32
      %add3A_423 = arith.constant 2 : i32
      %add3A_424 = arith.addi %add3A_422, %add3A_423 : i32
      %sub3A_425 = arith.constant 5 : i32
      %sub3A_426 = arith.subi %add3A_424, %sub3A_425 : i32
      %add3A_427 = arith.addi %mul3A_2, %sub3A_426 : i32
      %mul3A_428 = arith.constant 128 : i32
      %mul3A_429 = arith.muli %add3A_427, %mul3A_428 : i32
      %dma_wait3A_430 = arith.constant 0 : i32
      %dma_wait3A_431 = tpu.memref_slice %arg4[%mul3A_429, %dma_wait3A_430] : memref<204800x128xf32, #tpu.memory_space<hbm>> -> memref<128x128xf32, #tpu.memory_space<hbm>>
      %dma_wait3A_432 = arith.constant 0 : i32
      %dma_wait3A_433 = tpu.memref_slice %arg4[%mul3A_429, %dma_wait3A_432] : memref<204800x128xf32, #tpu.memory_space<hbm>> -> memref<128x128xf32, #tpu.memory_space<hbm>>
      tpu.wait_dma2 semaphore(%arg16 : memref<!tpu.dma_semaphore, #tpu.memory_space<semaphore_mem>>) src(%arg6 : memref<128x128xf32, #tpu.memory_space<vmem>>) dst(%dma_wait3A_433 : memref<128x128xf32, #tpu.memory_space<hbm>>)
      %dma_start3A_434 = arith.constant 0 : i32
      %dma_start3A_435 = tpu.memref_slice %arg5[%add3A_424, %dma_start3A_434] : memref<50x128xi32, #tpu.memory_space<vmem>> -> memref<1x128xi32, #tpu.memory_space<vmem>>
      %dma_start3A_436 = tpu.memref_squeeze %dma_start3A_435 : memref<1x128xi32, #tpu.memory_space<vmem>> -> memref<128xi32, #tpu.memory_space<vmem>>
      %dma_start3A_437 = arith.constant 0 : i32
      %dma_start3A_438 = arith.constant 0 : i32
      %dma_start3A_439 = tpu.memref_slice %arg2[%dma_start3A_437, %dma_start3A_438] : memref<100000x128xf32, #tpu.memory_space<hbm>> -> memref<100000x128xf32, #tpu.memory_space<hbm>>
      tpu.enqueue_indirect_dma source(%dma_start3A_439 : memref<100000x128xf32, #tpu.memory_space<hbm>>) target(%arg6 : memref<128x128xf32, #tpu.memory_space<vmem>>) offsets(%dma_start3A_436 : memref<128xi32, #tpu.memory_space<vmem>>) semaphore(%arg11 : memref<!tpu.dma_semaphore, #tpu.memory_space<semaphore_mem>>)
      %dma_wait3A_440 = arith.constant 0 : i32
      %dma_wait3A_441 = tpu.memref_slice %arg5[%add3A_422, %dma_wait3A_440] : memref<50x128xi32, #tpu.memory_space<vmem>> -> memref<1x128xi32, #tpu.memory_space<vmem>>
      %dma_wait3A_442 = tpu.memref_squeeze %dma_wait3A_441 : memref<1x128xi32, #tpu.memory_space<vmem>> -> memref<128xi32, #tpu.memory_space<vmem>>
      %dma_wait3A_443 = arith.constant 0 : i32
      %dma_wait3A_444 = arith.constant 0 : i32
      %dma_wait3A_445 = tpu.memref_slice %arg2[%dma_wait3A_443, %dma_wait3A_444] : memref<100000x128xf32, #tpu.memory_space<hbm>> -> memref<100000x128xf32, #tpu.memory_space<hbm>>
      tpu.wait_indirect_dma semaphore(%arg14 : memref<!tpu.dma_semaphore, #tpu.memory_space<semaphore_mem>>) src(%dma_wait3A_445 : memref<100000x128xf32, #tpu.memory_space<hbm>>) dst(%arg9 : memref<128x128xf32, #tpu.memory_space<vmem>>)
      %add3A_446 = arith.addi %mul3A_2, %add3A_422 : i32
      %mul3A_447 = arith.constant 128 : i32
      %mul3A_448 = arith.muli %add3A_446, %mul3A_447 : i32
      %dma_start3A_449 = arith.constant 0 : i32
      %dma_start3A_450 = tpu.memref_slice %arg4[%mul3A_448, %dma_start3A_449] : memref<204800x128xf32, #tpu.memory_space<hbm>> -> memref<128x128xf32, #tpu.memory_space<hbm>>
      %dma_start3A_451 = arith.constant 0 : i32
      %dma_start3A_452 = tpu.memref_slice %arg4[%mul3A_448, %dma_start3A_451] : memref<204800x128xf32, #tpu.memory_space<hbm>> -> memref<128x128xf32, #tpu.memory_space<hbm>>
      tpu.enqueue_dma source(%arg9 : memref<128x128xf32, #tpu.memory_space<vmem>>) target(%dma_start3A_452 : memref<128x128xf32, #tpu.memory_space<hbm>>) target_semaphore(%arg19 : memref<!tpu.dma_semaphore, #tpu.memory_space<semaphore_mem>>)
      %add3A_453 = arith.constant 1 : i32
      %add3A_454 = arith.addi %add3A_453, %add3A_309 : i32
      %mul3A_455 = arith.constant 5 : i32
      %mul3A_456 = arith.muli %add3A_454, %mul3A_455 : i32
      %add3A_457 = arith.constant 4 : i32
      %add3A_458 = arith.addi %mul3A_456, %add3A_457 : i32
      %add3A_459 = arith.constant 2 : i32
      %add3A_460 = arith.addi %add3A_458, %add3A_459 : i32
      %sub3A_461 = arith.constant 5 : i32
      %sub3A_462 = arith.subi %add3A_460, %sub3A_461 : i32
      %add3A_463 = arith.addi %mul3A_2, %sub3A_462 : i32
      %mul3A_464 = arith.constant 128 : i32
      %mul3A_465 = arith.muli %add3A_463, %mul3A_464 : i32
      %dma_wait3A_466 = arith.constant 0 : i32
      %dma_wait3A_467 = tpu.memref_slice %arg4[%mul3A_465, %dma_wait3A_466] : memref<204800x128xf32, #tpu.memory_space<hbm>> -> memref<128x128xf32, #tpu.memory_space<hbm>>
      %dma_wait3A_468 = arith.constant 0 : i32
      %dma_wait3A_469 = tpu.memref_slice %arg4[%mul3A_465, %dma_wait3A_468] : memref<204800x128xf32, #tpu.memory_space<hbm>> -> memref<128x128xf32, #tpu.memory_space<hbm>>
      tpu.wait_dma2 semaphore(%arg17 : memref<!tpu.dma_semaphore, #tpu.memory_space<semaphore_mem>>) src(%arg7 : memref<128x128xf32, #tpu.memory_space<vmem>>) dst(%dma_wait3A_469 : memref<128x128xf32, #tpu.memory_space<hbm>>)
      %dma_start3A_470 = arith.constant 0 : i32
      %dma_start3A_471 = tpu.memref_slice %arg5[%add3A_460, %dma_start3A_470] : memref<50x128xi32, #tpu.memory_space<vmem>> -> memref<1x128xi32, #tpu.memory_space<vmem>>
      %dma_start3A_472 = tpu.memref_squeeze %dma_start3A_471 : memref<1x128xi32, #tpu.memory_space<vmem>> -> memref<128xi32, #tpu.memory_space<vmem>>
      %dma_start3A_473 = arith.constant 0 : i32
      %dma_start3A_474 = arith.constant 0 : i32
      %dma_start3A_475 = tpu.memref_slice %arg2[%dma_start3A_473, %dma_start3A_474] : memref<100000x128xf32, #tpu.memory_space<hbm>> -> memref<100000x128xf32, #tpu.memory_space<hbm>>
      tpu.enqueue_indirect_dma source(%dma_start3A_475 : memref<100000x128xf32, #tpu.memory_space<hbm>>) target(%arg7 : memref<128x128xf32, #tpu.memory_space<vmem>>) offsets(%dma_start3A_472 : memref<128xi32, #tpu.memory_space<vmem>>) semaphore(%arg12 : memref<!tpu.dma_semaphore, #tpu.memory_space<semaphore_mem>>)
      %dma_wait3A_476 = arith.constant 0 : i32
      %dma_wait3A_477 = tpu.memref_slice %arg5[%add3A_458, %dma_wait3A_476] : memref<50x128xi32, #tpu.memory_space<vmem>> -> memref<1x128xi32, #tpu.memory_space<vmem>>
      %dma_wait3A_478 = tpu.memref_squeeze %dma_wait3A_477 : memref<1x128xi32, #tpu.memory_space<vmem>> -> memref<128xi32, #tpu.memory_space<vmem>>
      %dma_wait3A_479 = arith.constant 0 : i32
      %dma_wait3A_480 = arith.constant 0 : i32
      %dma_wait3A_481 = tpu.memref_slice %arg2[%dma_wait3A_479, %dma_wait3A_480] : memref<100000x128xf32, #tpu.memory_space<hbm>> -> memref<100000x128xf32, #tpu.memory_space<hbm>>
      tpu.wait_indirect_dma semaphore(%arg15 : memref<!tpu.dma_semaphore, #tpu.memory_space<semaphore_mem>>) src(%dma_wait3A_481 : memref<100000x128xf32, #tpu.memory_space<hbm>>) dst(%arg10 : memref<128x128xf32, #tpu.memory_space<vmem>>)
      %add3A_482 = arith.addi %mul3A_2, %add3A_458 : i32
      %mul3A_483 = arith.constant 128 : i32
      %mul3A_484 = arith.muli %add3A_482, %mul3A_483 : i32
      %dma_start3A_485 = arith.constant 0 : i32
      %dma_start3A_486 = tpu.memref_slice %arg4[%mul3A_484, %dma_start3A_485] : memref<204800x128xf32, #tpu.memory_space<hbm>> -> memref<128x128xf32, #tpu.memory_space<hbm>>
      %dma_start3A_487 = arith.constant 0 : i32
      %dma_start3A_488 = tpu.memref_slice %arg4[%mul3A_484, %dma_start3A_487] : memref<204800x128xf32, #tpu.memory_space<hbm>> -> memref<128x128xf32, #tpu.memory_space<hbm>>
      tpu.enqueue_dma source(%arg10 : memref<128x128xf32, #tpu.memory_space<vmem>>) target(%dma_start3A_488 : memref<128x128xf32, #tpu.memory_space<hbm>>) target_semaphore(%arg20 : memref<!tpu.dma_semaphore, #tpu.memory_space<semaphore_mem>>)
    }
    %scan3A_144 = arith.constant 8 : i32
    %add3A_145 = arith.constant 42 : i32
    %add3A_146 = arith.addi %mul3A_2, %add3A_145 : i32
    %mul3A_147 = arith.constant 128 : i32
    %mul3A_148 = arith.muli %add3A_146, %mul3A_147 : i32
    %dma_wait3A_149 = arith.constant 0 : i32
    %dma_wait3A_150 = tpu.memref_slice %arg4[%mul3A_148, %dma_wait3A_149] : memref<204800x128xf32, #tpu.memory_space<hbm>> -> memref<128x128xf32, #tpu.memory_space<hbm>>
    %dma_wait3A_151 = arith.constant 0 : i32
    %dma_wait3A_152 = tpu.memref_slice %arg4[%mul3A_148, %dma_wait3A_151] : memref<204800x128xf32, #tpu.memory_space<hbm>> -> memref<128x128xf32, #tpu.memory_space<hbm>>
    tpu.wait_dma2 semaphore(%arg18 : memref<!tpu.dma_semaphore, #tpu.memory_space<semaphore_mem>>) src(%arg8 : memref<128x128xf32, #tpu.memory_space<vmem>>) dst(%dma_wait3A_152 : memref<128x128xf32, #tpu.memory_space<hbm>>)
    %dma_start3A_153 = arith.constant 47 : i32
    %dma_start3A_154 = arith.constant 0 : i32
    %dma_start3A_155 = tpu.memref_slice %arg5[%dma_start3A_153, %dma_start3A_154] : memref<50x128xi32, #tpu.memory_space<vmem>> -> memref<1x128xi32, #tpu.memory_space<vmem>>
    %dma_start3A_156 = tpu.memref_squeeze %dma_start3A_155 : memref<1x128xi32, #tpu.memory_space<vmem>> -> memref<128xi32, #tpu.memory_space<vmem>>
    %dma_start3A_157 = arith.constant 0 : i32
    %dma_start3A_158 = arith.constant 0 : i32
    %dma_start3A_159 = tpu.memref_slice %arg2[%dma_start3A_157, %dma_start3A_158] : memref<100000x128xf32, #tpu.memory_space<hbm>> -> memref<100000x128xf32, #tpu.memory_space<hbm>>
    tpu.enqueue_indirect_dma source(%dma_start3A_159 : memref<100000x128xf32, #tpu.memory_space<hbm>>) target(%arg8 : memref<128x128xf32, #tpu.memory_space<vmem>>) offsets(%dma_start3A_156 : memref<128xi32, #tpu.memory_space<vmem>>) semaphore(%arg13 : memref<!tpu.dma_semaphore, #tpu.memory_space<semaphore_mem>>)
    %dma_wait3A_160 = arith.constant 45 : i32
    %dma_wait3A_161 = arith.constant 0 : i32
    %dma_wait3A_162 = tpu.memref_slice %arg5[%dma_wait3A_160, %dma_wait3A_161] : memref<50x128xi32, #tpu.memory_space<vmem>> -> memref<1x128xi32, #tpu.memory_space<vmem>>
    %dma_wait3A_163 = tpu.memref_squeeze %dma_wait3A_162 : memref<1x128xi32, #tpu.memory_space<vmem>> -> memref<128xi32, #tpu.memory_space<vmem>>
    %dma_wait3A_164 = arith.constant 0 : i32
    %dma_wait3A_165 = arith.constant 0 : i32
    %dma_wait3A_166 = tpu.memref_slice %arg2[%dma_wait3A_164, %dma_wait3A_165] : memref<100000x128xf32, #tpu.memory_space<hbm>> -> memref<100000x128xf32, #tpu.memory_space<hbm>>
    tpu.wait_indirect_dma semaphore(%arg11 : memref<!tpu.dma_semaphore, #tpu.memory_space<semaphore_mem>>) src(%dma_wait3A_166 : memref<100000x128xf32, #tpu.memory_space<hbm>>) dst(%arg6 : memref<128x128xf32, #tpu.memory_space<vmem>>)
    %add3A_167 = arith.constant 45 : i32
    %add3A_168 = arith.addi %mul3A_2, %add3A_167 : i32
    %mul3A_169 = arith.constant 128 : i32
    %mul3A_170 = arith.muli %add3A_168, %mul3A_169 : i32
    %dma_start3A_171 = arith.constant 0 : i32
    %dma_start3A_172 = tpu.memref_slice %arg4[%mul3A_170, %dma_start3A_171] : memref<204800x128xf32, #tpu.memory_space<hbm>> -> memref<128x128xf32, #tpu.memory_space<hbm>>
    %dma_start3A_173 = arith.constant 0 : i32
    %dma_start3A_174 = tpu.memref_slice %arg4[%mul3A_170, %dma_start3A_173] : memref<204800x128xf32, #tpu.memory_space<hbm>> -> memref<128x128xf32, #tpu.memory_space<hbm>>
    tpu.enqueue_dma source(%arg6 : memref<128x128xf32, #tpu.memory_space<vmem>>) target(%dma_start3A_174 : memref<128x128xf32, #tpu.memory_space<hbm>>) target_semaphore(%arg16 : memref<!tpu.dma_semaphore, #tpu.memory_space<semaphore_mem>>)
    %add3A_175 = arith.constant 43 : i32
    %add3A_176 = arith.addi %mul3A_2, %add3A_175 : i32
    %mul3A_177 = arith.constant 128 : i32
    %mul3A_178 = arith.muli %add3A_176, %mul3A_177 : i32
    %dma_wait3A_179 = arith.constant 0 : i32
    %dma_wait3A_180 = tpu.memref_slice %arg4[%mul3A_178, %dma_wait3A_179] : memref<204800x128xf32, #tpu.memory_space<hbm>> -> memref<128x128xf32, #tpu.memory_space<hbm>>
    %dma_wait3A_181 = arith.constant 0 : i32
    %dma_wait3A_182 = tpu.memref_slice %arg4[%mul3A_178, %dma_wait3A_181] : memref<204800x128xf32, #tpu.memory_space<hbm>> -> memref<128x128xf32, #tpu.memory_space<hbm>>
    tpu.wait_dma2 semaphore(%arg19 : memref<!tpu.dma_semaphore, #tpu.memory_space<semaphore_mem>>) src(%arg9 : memref<128x128xf32, #tpu.memory_space<vmem>>) dst(%dma_wait3A_182 : memref<128x128xf32, #tpu.memory_space<hbm>>)
    %dma_start3A_183 = arith.constant 48 : i32
    %dma_start3A_184 = arith.constant 0 : i32
    %dma_start3A_185 = tpu.memref_slice %arg5[%dma_start3A_183, %dma_start3A_184] : memref<50x128xi32, #tpu.memory_space<vmem>> -> memref<1x128xi32, #tpu.memory_space<vmem>>
    %dma_start3A_186 = tpu.memref_squeeze %dma_start3A_185 : memref<1x128xi32, #tpu.memory_space<vmem>> -> memref<128xi32, #tpu.memory_space<vmem>>
    %dma_start3A_187 = arith.constant 0 : i32
    %dma_start3A_188 = arith.constant 0 : i32
    %dma_start3A_189 = tpu.memref_slice %arg2[%dma_start3A_187, %dma_start3A_188] : memref<100000x128xf32, #tpu.memory_space<hbm>> -> memref<100000x128xf32, #tpu.memory_space<hbm>>
    tpu.enqueue_indirect_dma source(%dma_start3A_189 : memref<100000x128xf32, #tpu.memory_space<hbm>>) target(%arg9 : memref<128x128xf32, #tpu.memory_space<vmem>>) offsets(%dma_start3A_186 : memref<128xi32, #tpu.memory_space<vmem>>) semaphore(%arg14 : memref<!tpu.dma_semaphore, #tpu.memory_space<semaphore_mem>>)
    %dma_wait3A_190 = arith.constant 46 : i32
    %dma_wait3A_191 = arith.constant 0 : i32
    %dma_wait3A_192 = tpu.memref_slice %arg5[%dma_wait3A_190, %dma_wait3A_191] : memref<50x128xi32, #tpu.memory_space<vmem>> -> memref<1x128xi32, #tpu.memory_space<vmem>>
    %dma_wait3A_193 = tpu.memref_squeeze %dma_wait3A_192 : memref<1x128xi32, #tpu.memory_space<vmem>> -> memref<128xi32, #tpu.memory_space<vmem>>
    %dma_wait3A_194 = arith.constant 0 : i32
    %dma_wait3A_195 = arith.constant 0 : i32
    %dma_wait3A_196 = tpu.memref_slice %arg2[%dma_wait3A_194, %dma_wait3A_195] : memref<100000x128xf32, #tpu.memory_space<hbm>> -> memref<100000x128xf32, #tpu.memory_space<hbm>>
    tpu.wait_indirect_dma semaphore(%arg12 : memref<!tpu.dma_semaphore, #tpu.memory_space<semaphore_mem>>) src(%dma_wait3A_196 : memref<100000x128xf32, #tpu.memory_space<hbm>>) dst(%arg7 : memref<128x128xf32, #tpu.memory_space<vmem>>)
    %add3A_197 = arith.constant 46 : i32
    %add3A_198 = arith.addi %mul3A_2, %add3A_197 : i32
    %mul3A_199 = arith.constant 128 : i32
    %mul3A_200 = arith.muli %add3A_198, %mul3A_199 : i32
    %dma_start3A_201 = arith.constant 0 : i32
    %dma_start3A_202 = tpu.memref_slice %arg4[%mul3A_200, %dma_start3A_201] : memref<204800x128xf32, #tpu.memory_space<hbm>> -> memref<128x128xf32, #tpu.memory_space<hbm>>
    %dma_start3A_203 = arith.constant 0 : i32
    %dma_start3A_204 = tpu.memref_slice %arg4[%mul3A_200, %dma_start3A_203] : memref<204800x128xf32, #tpu.memory_space<hbm>> -> memref<128x128xf32, #tpu.memory_space<hbm>>
    tpu.enqueue_dma source(%arg7 : memref<128x128xf32, #tpu.memory_space<vmem>>) target(%dma_start3A_204 : memref<128x128xf32, #tpu.memory_space<hbm>>) target_semaphore(%arg17 : memref<!tpu.dma_semaphore, #tpu.memory_space<semaphore_mem>>)
    %add3A_205 = arith.constant 44 : i32
    %add3A_206 = arith.addi %mul3A_2, %add3A_205 : i32
    %mul3A_207 = arith.constant 128 : i32
    %mul3A_208 = arith.muli %add3A_206, %mul3A_207 : i32
    %dma_wait3A_209 = arith.constant 0 : i32
    %dma_wait3A_210 = tpu.memref_slice %arg4[%mul3A_208, %dma_wait3A_209] : memref<204800x128xf32, #tpu.memory_space<hbm>> -> memref<128x128xf32, #tpu.memory_space<hbm>>
    %dma_wait3A_211 = arith.constant 0 : i32
    %dma_wait3A_212 = tpu.memref_slice %arg4[%mul3A_208, %dma_wait3A_211] : memref<204800x128xf32, #tpu.memory_space<hbm>> -> memref<128x128xf32, #tpu.memory_space<hbm>>
    tpu.wait_dma2 semaphore(%arg20 : memref<!tpu.dma_semaphore, #tpu.memory_space<semaphore_mem>>) src(%arg10 : memref<128x128xf32, #tpu.memory_space<vmem>>) dst(%dma_wait3A_212 : memref<128x128xf32, #tpu.memory_space<hbm>>)
    %dma_start3A_213 = arith.constant 49 : i32
    %dma_start3A_214 = arith.constant 0 : i32
    %dma_start3A_215 = tpu.memref_slice %arg5[%dma_start3A_213, %dma_start3A_214] : memref<50x128xi32, #tpu.memory_space<vmem>> -> memref<1x128xi32, #tpu.memory_space<vmem>>
    %dma_start3A_216 = tpu.memref_squeeze %dma_start3A_215 : memref<1x128xi32, #tpu.memory_space<vmem>> -> memref<128xi32, #tpu.memory_space<vmem>>
    %dma_start3A_217 = arith.constant 0 : i32
    %dma_start3A_218 = arith.constant 0 : i32
    %dma_start3A_219 = tpu.memref_slice %arg2[%dma_start3A_217, %dma_start3A_218] : memref<100000x128xf32, #tpu.memory_space<hbm>> -> memref<100000x128xf32, #tpu.memory_space<hbm>>
    tpu.enqueue_indirect_dma source(%dma_start3A_219 : memref<100000x128xf32, #tpu.memory_space<hbm>>) target(%arg10 : memref<128x128xf32, #tpu.memory_space<vmem>>) offsets(%dma_start3A_216 : memref<128xi32, #tpu.memory_space<vmem>>) semaphore(%arg15 : memref<!tpu.dma_semaphore, #tpu.memory_space<semaphore_mem>>)
    %dma_wait3A_220 = arith.constant 47 : i32
    %dma_wait3A_221 = arith.constant 0 : i32
    %dma_wait3A_222 = tpu.memref_slice %arg5[%dma_wait3A_220, %dma_wait3A_221] : memref<50x128xi32, #tpu.memory_space<vmem>> -> memref<1x128xi32, #tpu.memory_space<vmem>>
    %dma_wait3A_223 = tpu.memref_squeeze %dma_wait3A_222 : memref<1x128xi32, #tpu.memory_space<vmem>> -> memref<128xi32, #tpu.memory_space<vmem>>
    %dma_wait3A_224 = arith.constant 0 : i32
    %dma_wait3A_225 = arith.constant 0 : i32
    %dma_wait3A_226 = tpu.memref_slice %arg2[%dma_wait3A_224, %dma_wait3A_225] : memref<100000x128xf32, #tpu.memory_space<hbm>> -> memref<100000x128xf32, #tpu.memory_space<hbm>>
    tpu.wait_indirect_dma semaphore(%arg13 : memref<!tpu.dma_semaphore, #tpu.memory_space<semaphore_mem>>) src(%dma_wait3A_226 : memref<100000x128xf32, #tpu.memory_space<hbm>>) dst(%arg8 : memref<128x128xf32, #tpu.memory_space<vmem>>)
    %add3A_227 = arith.constant 47 : i32
    %add3A_228 = arith.addi %mul3A_2, %add3A_227 : i32
    %mul3A_229 = arith.constant 128 : i32
    %mul3A_230 = arith.muli %add3A_228, %mul3A_229 : i32
    %dma_start3A_231 = arith.constant 0 : i32
    %dma_start3A_232 = tpu.memref_slice %arg4[%mul3A_230, %dma_start3A_231] : memref<204800x128xf32, #tpu.memory_space<hbm>> -> memref<128x128xf32, #tpu.memory_space<hbm>>
    %dma_start3A_233 = arith.constant 0 : i32
    %dma_start3A_234 = tpu.memref_slice %arg4[%mul3A_230, %dma_start3A_233] : memref<204800x128xf32, #tpu.memory_space<hbm>> -> memref<128x128xf32, #tpu.memory_space<hbm>>
    tpu.enqueue_dma source(%arg8 : memref<128x128xf32, #tpu.memory_space<vmem>>) target(%dma_start3A_234 : memref<128x128xf32, #tpu.memory_space<hbm>>) target_semaphore(%arg18 : memref<!tpu.dma_semaphore, #tpu.memory_space<semaphore_mem>>)
    %dma_wait3A_235 = arith.constant 48 : i32
    %dma_wait3A_236 = arith.constant 0 : i32
    %dma_wait3A_237 = tpu.memref_slice %arg5[%dma_wait3A_235, %dma_wait3A_236] : memref<50x128xi32, #tpu.memory_space<vmem>> -> memref<1x128xi32, #tpu.memory_space<vmem>>
    %dma_wait3A_238 = tpu.memref_squeeze %dma_wait3A_237 : memref<1x128xi32, #tpu.memory_space<vmem>> -> memref<128xi32, #tpu.memory_space<vmem>>
    %dma_wait3A_239 = arith.constant 0 : i32
    %dma_wait3A_240 = arith.constant 0 : i32
    %dma_wait3A_241 = tpu.memref_slice %arg2[%dma_wait3A_239, %dma_wait3A_240] : memref<100000x128xf32, #tpu.memory_space<hbm>> -> memref<100000x128xf32, #tpu.memory_space<hbm>>
    tpu.wait_indirect_dma semaphore(%arg14 : memref<!tpu.dma_semaphore, #tpu.memory_space<semaphore_mem>>) src(%dma_wait3A_241 : memref<100000x128xf32, #tpu.memory_space<hbm>>) dst(%arg9 : memref<128x128xf32, #tpu.memory_space<vmem>>)
    %add3A_242 = arith.constant 48 : i32
    %add3A_243 = arith.addi %mul3A_2, %add3A_242 : i32
    %mul3A_244 = arith.constant 128 : i32
    %mul3A_245 = arith.muli %add3A_243, %mul3A_244 : i32
    %dma_start3A_246 = arith.constant 0 : i32
    %dma_start3A_247 = tpu.memref_slice %arg4[%mul3A_245, %dma_start3A_246] : memref<204800x128xf32, #tpu.memory_space<hbm>> -> memref<128x128xf32, #tpu.memory_space<hbm>>
    %dma_start3A_248 = arith.constant 0 : i32
    %dma_start3A_249 = tpu.memref_slice %arg4[%mul3A_245, %dma_start3A_248] : memref<204800x128xf32, #tpu.memory_space<hbm>> -> memref<128x128xf32, #tpu.memory_space<hbm>>
    tpu.enqueue_dma source(%arg9 : memref<128x128xf32, #tpu.memory_space<vmem>>) target(%dma_start3A_249 : memref<128x128xf32, #tpu.memory_space<hbm>>) target_semaphore(%arg19 : memref<!tpu.dma_semaphore, #tpu.memory_space<semaphore_mem>>)
    %dma_wait3A_250 = arith.constant 49 : i32
    %dma_wait3A_251 = arith.constant 0 : i32
    %dma_wait3A_252 = tpu.memref_slice %arg5[%dma_wait3A_250, %dma_wait3A_251] : memref<50x128xi32, #tpu.memory_space<vmem>> -> memref<1x128xi32, #tpu.memory_space<vmem>>
    %dma_wait3A_253 = tpu.memref_squeeze %dma_wait3A_252 : memref<1x128xi32, #tpu.memory_space<vmem>> -> memref<128xi32, #tpu.memory_space<vmem>>
    %dma_wait3A_254 = arith.constant 0 : i32
    %dma_wait3A_255 = arith.constant 0 : i32
    %dma_wait3A_256 = tpu.memref_slice %arg2[%dma_wait3A_254, %dma_wait3A_255] : memref<100000x128xf32, #tpu.memory_space<hbm>> -> memref<100000x128xf32, #tpu.memory_space<hbm>>
    tpu.wait_indirect_dma semaphore(%arg15 : memref<!tpu.dma_semaphore, #tpu.memory_space<semaphore_mem>>) src(%dma_wait3A_256 : memref<100000x128xf32, #tpu.memory_space<hbm>>) dst(%arg10 : memref<128x128xf32, #tpu.memory_space<vmem>>)
    %add3A_257 = arith.constant 49 : i32
    %add3A_258 = arith.addi %mul3A_2, %add3A_257 : i32
    %mul3A_259 = arith.constant 128 : i32
    %mul3A_260 = arith.muli %add3A_258, %mul3A_259 : i32
    %dma_start3A_261 = arith.constant 0 : i32
    %dma_start3A_262 = tpu.memref_slice %arg4[%mul3A_260, %dma_start3A_261] : memref<204800x128xf32, #tpu.memory_space<hbm>> -> memref<128x128xf32, #tpu.memory_space<hbm>>
    %dma_start3A_263 = arith.constant 0 : i32
    %dma_start3A_264 = tpu.memref_slice %arg4[%mul3A_260, %dma_start3A_263] : memref<204800x128xf32, #tpu.memory_space<hbm>> -> memref<128x128xf32, #tpu.memory_space<hbm>>
    tpu.enqueue_dma source(%arg10 : memref<128x128xf32, #tpu.memory_space<vmem>>) target(%dma_start3A_264 : memref<128x128xf32, #tpu.memory_space<hbm>>) target_semaphore(%arg20 : memref<!tpu.dma_semaphore, #tpu.memory_space<semaphore_mem>>)
    %add3A_265 = arith.constant 45 : i32
    %add3A_266 = arith.addi %mul3A_2, %add3A_265 : i32
    %mul3A_267 = arith.constant 128 : i32
    %mul3A_268 = arith.muli %add3A_266, %mul3A_267 : i32
    %dma_wait3A_269 = arith.constant 0 : i32
    %dma_wait3A_270 = tpu.memref_slice %arg4[%mul3A_268, %dma_wait3A_269] : memref<204800x128xf32, #tpu.memory_space<hbm>> -> memref<128x128xf32, #tpu.memory_space<hbm>>
    %dma_wait3A_271 = arith.constant 0 : i32
    %dma_wait3A_272 = tpu.memref_slice %arg4[%mul3A_268, %dma_wait3A_271] : memref<204800x128xf32, #tpu.memory_space<hbm>> -> memref<128x128xf32, #tpu.memory_space<hbm>>
    tpu.wait_dma2 semaphore(%arg16 : memref<!tpu.dma_semaphore, #tpu.memory_space<semaphore_mem>>) src(%arg6 : memref<128x128xf32, #tpu.memory_space<vmem>>) dst(%dma_wait3A_272 : memref<128x128xf32, #tpu.memory_space<hbm>>)
    %add3A_273 = arith.constant 46 : i32
    %add3A_274 = arith.addi %mul3A_2, %add3A_273 : i32
    %mul3A_275 = arith.constant 128 : i32
    %mul3A_276 = arith.muli %add3A_274, %mul3A_275 : i32
    %dma_wait3A_277 = arith.constant 0 : i32
    %dma_wait3A_278 = tpu.memref_slice %arg4[%mul3A_276, %dma_wait3A_277] : memref<204800x128xf32, #tpu.memory_space<hbm>> -> memref<128x128xf32, #tpu.memory_space<hbm>>
    %dma_wait3A_279 = arith.constant 0 : i32
    %dma_wait3A_280 = tpu.memref_slice %arg4[%mul3A_276, %dma_wait3A_279] : memref<204800x128xf32, #tpu.memory_space<hbm>> -> memref<128x128xf32, #tpu.memory_space<hbm>>
    tpu.wait_dma2 semaphore(%arg17 : memref<!tpu.dma_semaphore, #tpu.memory_space<semaphore_mem>>) src(%arg7 : memref<128x128xf32, #tpu.memory_space<vmem>>) dst(%dma_wait3A_280 : memref<128x128xf32, #tpu.memory_space<hbm>>)
    %add3A_281 = arith.constant 47 : i32
    %add3A_282 = arith.addi %mul3A_2, %add3A_281 : i32
    %mul3A_283 = arith.constant 128 : i32
    %mul3A_284 = arith.muli %add3A_282, %mul3A_283 : i32
    %dma_wait3A_285 = arith.constant 0 : i32
    %dma_wait3A_286 = tpu.memref_slice %arg4[%mul3A_284, %dma_wait3A_285] : memref<204800x128xf32, #tpu.memory_space<hbm>> -> memref<128x128xf32, #tpu.memory_space<hbm>>
    %dma_wait3A_287 = arith.constant 0 : i32
    %dma_wait3A_288 = tpu.memref_slice %arg4[%mul3A_284, %dma_wait3A_287] : memref<204800x128xf32, #tpu.memory_space<hbm>> -> memref<128x128xf32, #tpu.memory_space<hbm>>
    tpu.wait_dma2 semaphore(%arg18 : memref<!tpu.dma_semaphore, #tpu.memory_space<semaphore_mem>>) src(%arg8 : memref<128x128xf32, #tpu.memory_space<vmem>>) dst(%dma_wait3A_288 : memref<128x128xf32, #tpu.memory_space<hbm>>)
    %add3A_289 = arith.constant 48 : i32
    %add3A_290 = arith.addi %mul3A_2, %add3A_289 : i32
    %mul3A_291 = arith.constant 128 : i32
    %mul3A_292 = arith.muli %add3A_290, %mul3A_291 : i32
    %dma_wait3A_293 = arith.constant 0 : i32
    %dma_wait3A_294 = tpu.memref_slice %arg4[%mul3A_292, %dma_wait3A_293] : memref<204800x128xf32, #tpu.memory_space<hbm>> -> memref<128x128xf32, #tpu.memory_space<hbm>>
    %dma_wait3A_295 = arith.constant 0 : i32
    %dma_wait3A_296 = tpu.memref_slice %arg4[%mul3A_292, %dma_wait3A_295] : memref<204800x128xf32, #tpu.memory_space<hbm>> -> memref<128x128xf32, #tpu.memory_space<hbm>>
    tpu.wait_dma2 semaphore(%arg19 : memref<!tpu.dma_semaphore, #tpu.memory_space<semaphore_mem>>) src(%arg9 : memref<128x128xf32, #tpu.memory_space<vmem>>) dst(%dma_wait3A_296 : memref<128x128xf32, #tpu.memory_space<hbm>>)
    %add3A_297 = arith.constant 49 : i32
    %add3A_298 = arith.addi %mul3A_2, %add3A_297 : i32
    %mul3A_299 = arith.constant 128 : i32
    %mul3A_300 = arith.muli %add3A_298, %mul3A_299 : i32
    %dma_wait3A_301 = arith.constant 0 : i32
    %dma_wait3A_302 = tpu.memref_slice %arg4[%mul3A_300, %dma_wait3A_301] : memref<204800x128xf32, #tpu.memory_space<hbm>> -> memref<128x128xf32, #tpu.memory_space<hbm>>
    %dma_wait3A_303 = arith.constant 0 : i32
    %dma_wait3A_304 = tpu.memref_slice %arg4[%mul3A_300, %dma_wait3A_303] : memref<204800x128xf32, #tpu.memory_space<hbm>> -> memref<128x128xf32, #tpu.memory_space<hbm>>
    tpu.wait_dma2 semaphore(%arg20 : memref<!tpu.dma_semaphore, #tpu.memory_space<semaphore_mem>>) src(%arg10 : memref<128x128xf32, #tpu.memory_space<vmem>>) dst(%dma_wait3A_304 : memref<128x128xf32, #tpu.memory_space<hbm>>)
    return
  }
}

</mosaic_0001>

<sc_bundles>
// kernel: kernel.3.cloned.1.call-start
scs
__scs_entry_jumppad:
0x0: {  	(pc) =	sbr.rel $0x88, $3  }
0x1: {  	(tag) =	ssettag $0x0;
	lr =	simm.s32 $0x1  }
0x2: {  	[smem:$0x3F9F] =	sst lr;
	_ =	strace $0xD0000000  }
0x3: {  	_ = 	snop  }
0x4: {  	_ = 	snop  }
0x5: {  	_ = 	snop  }
0x6: {  	_ = 	snop  }
0x7: {  	_ = 	snop  }
__scs_overlays_trampoline_lowered:
0x8: {  	[smem:$0x3FAE] =	sst s0  }
0x9: {  	[smem:$0x3FAF] =	sst s1  }
0xa: {  	[smem:$0x3FB0] =	sst s2  }
0xb: {  	[smem:$0x3FB1] =	sst s3  }
0xc: {  	[smem:$0x3FB2] =	sst s4  }
0xd: {  	[smem:$0x3FB3] =	sst s5  }
0xe: {  	[smem:$0x3FB4] =	sst s6  }
0xf: {  	[smem:$0x3FB5] =	sst s7  }
0x10: {  	[smem:$0x3FB6] =	sst s8  }
0x11: {  	[smem:$0x3FB7] =	sst s9;
	s0 =	simm.s32 @!p0 $0x0  }
0x12: {  	s1 =	sld [smem:$0x3F9D];
	s0 =	simm.s32 @p0 $0x1  }
0x13: {  	[smem:$0x3FB8] =	sst s0;
	s0 =	simm.s32 @!p1 $0x0  }
0x14: {  	s2 =	sld [smem:$0x3F9C];
	s0 =	simm.s32 @p1 $0x1  }
0x15: {  	[smem:$0x3FB9] =	sst s0;
	s0 =	simm.s32 @!p2 $0x0  }
0x16: {  	s3 =	sld [smem:$0x3FDB];
	s0 =	simm.s32 @p2 $0x1  }
0x17: {  	s4 =	simm.s32 $0x1BF5;
	[smem:$0x3FBB] =	sst s0  }
0x18: {  	s0 =	sld [smem:$0x3F9E];
	_ =	swait.ge [sflag:s4], $0x0  }
0x19: {  	s7 =	sld [smem:$0x3F9F]  }
0x1a: {  	s8 =	sadd.s32 $0xFFFFE003, lr  }
0x1b: {  	s9 =	sadd.s32 $0xFFFFFEF7, lr;
	s5 =	simm.s32 $0xFFFFFFFF;
	p2 =	slt.u32 s8, $0xFFFFF086  }
0x1c: {  	p1 =	slt.u32 s9, $0xF7A;
	s5 =	simm.s32 @!p2 $0x0  }
0x1d: {  	s5 =	simm.s32 @p1 $0x1;
	p0 =	seq.s32 s7, s2  }
0x1e: {  	s7 =	smul.u32 @!p0 $0xF7A, s2;
	p2 =	seq.s32 @!p0 s5, $0x0  }
0x1f: {  	s9 =	smul.u32 $0xF7A, s1;
	s8 =	simm.s32 @!p0 $0x1BF5;
	p2 =	por !p2, p0  }
0x20: {  	[sflag:s8] =	ssyncset.s32 @!p0 $0xFFFFF086;
	s6 =	sadd.s32 @!p0 s3, s7;
	s7 =	simm.s32 @!p0 $0x108  }
0x21: {  	s3 =	sadd.s32 s3, s9;
	s6 =	sadd.s32 @!p0 $0x88, s6;
	s7 =	simm.s32 @p2 $0x1082  }
0x22: {  	[simem:s7], [sflag:s8] =	dma.local @!p0 [hbm:s6], $0xF7A  }
0x23: {  	s9 =	sor.u32 $0xD0000000, s2;
	s6 =	simm.s32 $0x108;
	_ =	swait.ge @!p0 [sflag:s8], $0x0  }
0x24: {  	s3 =	sadd.s32 $0x88, s3;
	s6 =	simm.s32 @!p1 $0x1082;
	[sflag:s4] =	ssyncset.s32 $0xFFFFF086  }
0x25: {  	[simem:s6], [sflag:s4] =	dma.local [hbm:s3], $0xF7A  }
0x26: {  	[smem:$0x3F9F] =	sst s1;
	(tag) =	ssettag s2;
	_ =	strace s9  }
0x27: {  	s1 =	sld [smem:$0x3FAF]  }
0x28: {  	s2 =	sld [smem:$0x3FB0]  }
0x29: {  	s4 =	sld [smem:$0x3FB2]  }
0x2a: {  	p0 =	seq.s32 s5, $0x0;
	s5 =	sld [smem:$0x3FB3]  }
0x2b: {  	s6 =	sld [smem:$0x3FB4]  }
0x2c: {  	s7 =	sld [smem:$0x3FB5]  }
0x2d: {  	s3 =	simm.s32 $0x108;
	s8 =	sld [smem:$0x3FB6]  }
0x2e: {  	s3 =	simm.s32 @!p0 $0x1082;
	s9 =	sld [smem:$0x3FB7]  }
0x2f: {  	lr =	sadd.s32 s0, s3;
	s0 =	sld [smem:$0x3FAE]  }
0x30: {  	s3 =	sld [smem:$0x3FB1]  }
0x31: {  	[smem:$0x3FBA] =	sst s10  }
0x32: {  	s10 =	sld [smem:$0x3FB8];
	_ =	sdelay $0x3  }
0x33: {  	p0 =	seq.s32 s10, $0x1;
	s10 =	sld [smem:$0x3FBA];
	_ =	sdelay $0x3  }
0x34: {  	[smem:$0x3FBA] =	sst s10  }
0x35: {  	s10 =	sld [smem:$0x3FB9];
	_ =	sdelay $0x3  }
0x36: {  	p1 =	seq.s32 s10, $0x1;
	s10 =	sld [smem:$0x3FBA];
	_ =	sdelay $0x3  }
0x37: {  	[smem:$0x3FBA] =	sst s10  }
0x38: {  	s10 =	sld [smem:$0x3FBB]  }
0x39: {  	_ = 	snop;
	(pc) =	sbr.ind lr, $3  }
0x3a: {  	_ = 	snop  }
0x3b: {  	_ = 	snop  }
0x3c: {  	p2 =	seq.s32 s10, $0x1;
	s10 =	sld [smem:$0x3FBA]  }
0x3d: {  	_ =	shalt  }
0x3e: {  	_ =	shalt  }
0x3f: {  	_ =	shalt  }
0x40: {  	_ =	shalt  }
0x41: {  	_ =	shalt  }
0x42: {  	_ =	shalt  }
0x43: {  	_ =	shalt  }
0x44: {  	_ =	shalt  }
0x45: {  	_ =	shalt  }
0x46: {  	_ =	shalt  }
0x47: {  	_ =	shalt  }
0x48: {  	_ =	shalt  }
0x49: {  	_ =	shalt  }
0x4a: {  	_ =	shalt  }
0x4b: {  	_ =	shalt  }
0x4c: {  	_ =	shalt  }
0x4d: {  	_ =	shalt  }
0x4e: {  	_ =	shalt  }
0x4f: {  	_ =	shalt  }
0x50: {  	_ =	shalt  }
0x51: {  	_ =	shalt  }
0x52: {  	_ =	shalt  }
0x53: {  	_ =	shalt  }
0x54: {  	_ =	shalt  }
0x55: {  	_ =	shalt  }
0x56: {  	_ =	shalt  }
0x57: {  	_ =	shalt  }
0x58: {  	_ =	shalt  }
0x59: {  	_ =	shalt  }
0x5a: {  	_ =	shalt  }
0x5b: {  	_ =	shalt  }
0x5c: {  	_ =	shalt  }
0x5d: {  	_ =	shalt  }
0x5e: {  	_ =	shalt  }
0x5f: {  	_ =	shalt  }
0x60: {  	_ =	shalt  }
0x61: {  	_ =	shalt  }
0x62: {  	_ =	shalt  }
0x63: {  	_ =	shalt  }
0x64: {  	_ =	shalt  }
0x65: {  	_ =	shalt  }
0x66: {  	_ =	shalt  }
0x67: {  	_ =	shalt  }
0x68: {  	_ =	shalt  }
0x69: {  	_ =	shalt  }
0x6a: {  	_ =	shalt  }
0x6b: {  	_ =	shalt  }
0x6c: {  	_ =	shalt  }
0x6d: {  	_ =	shalt  }
0x6e: {  	_ =	shalt  }
0x6f: {  	_ =	shalt  }
0x70: {  	_ =	shalt  }
0x71: {  	_ =	shalt  }
0x72: {  	_ =	shalt  }
0x73: {  	_ =	shalt  }
0x74: {  	_ =	shalt  }
0x75: {  	_ =	shalt  }
0x76: {  	_ =	shalt  }
0x77: {  	_ =	shalt  }
0x78: {  	_ =	shalt  }
0x79: {  	_ =	shalt  }
0x7a: {  	_ =	shalt  }
0x7b: {  	_ =	shalt  }
0x7c: {  	_ =	shalt  }
0x7d: {  	_ =	shalt  }
0x7e: {  	_ =	shalt  }
0x7f: {  	_ =	shalt  }
0x80: {  	_ =	shalt  }
0x81: {  	_ =	shalt  }
0x82: {  	_ =	shalt  }
0x83: {  	_ =	shalt  }
0x84: {  	_ =	shalt  }
0x85: {  	_ =	shalt  }
0x86: {  	_ =	shalt  }
0x87: {  	_ =	shalt  }
.Lfunc_end0:
.L_simem_size_0:
called_computation_lowered:
.L_overlay_start_0:
0x88: {  	s2 =	sld [smem:$0x3FD9]  }
0x89: {  	s3 =	sld [smem:$0x3FFE];
	_ =	sdelay $0x1  }
0x8a: {  	s1 =	srdreg.scid  }
0x8b: {  	s0 =	sand.u32 $0x1, s1  }
0x8c: {  	s17 =	sshll.u32 s0, $0xA;
	s2 =	sadd.s32 s3, s2  }
0x8d: {  	s2 =	sadd.s32 s2, s17  }
0x8e: {  	[smem:$0x3FC6] =	sst s2  }
0x8f: {  	_ = 	snop  }
0x90: {  	s2 =	sld [smem:$0x3FC8]  }
0x91: {  	s18 =	sld [smem:$0x3FD0];
	(tm) =	ssettm $0x1  }
0x92: {  	s4 =	sld [smem:$0x3FFB];
	_ =	sdelay $0x3  }
0x93: {  	_ =	strace s4  }
0x94: {  	s4 =	sld [smem:$0x3FFC];
	_ =	sdelay $0x3  }
0x95: {  	_ =	strace s4  }
0x96: {  	s4 =	sld [smem:$0x3FFD];
	_ =	sdelay $0x3  }
0x97: {  	_ =	strace s4  }
0x98: {  	_ =	strace $0x8FFFFFFF  }
0x99: {  	s19 =	sld [smem:$0x3FDB];
	_ =	sdelay $0x1  }
0x9a: {  	s5 =	simm.s32 $_scs_section_size  }
0x9b: {  	s6 =	simm.s32 $_size__tile_overlayer_lowered;
	s7 =	simm.s32 $_tile_overlayer_lowered  }
0x9c: {  	s22 =	simm.s32 $0x1BFF;
	s21 =	sshll.u32 s7, $0x1;
	s4 =	sadd.s32 s5, s19  }
0x9d: {  	s8 =	simm.s32 $0x0;
	s20 =	sshll.u32 s6, $0x1;
	s6 =	sadd.s32 s21, s4  }
0x9e: {  	[timem:s8], [sflag:s22] =	dma.local [hbm:s6], s20  }
0x9f: {  	_ =	swait.ge [sflag:s22], s20  }
0xa0: {  	s5 =	ssub.s32 $0x0, s20;
	[sflag:s22] =	ssyncset.done $0x0  }
0xa1: {  	[sflag:s22] =	ssyncadd.s32 s5;
	_ =	sdelay $0x1  }
0xa2: {  	s23 =	simm.s32 $0x1B8B  }
0xa3: {  	_ =	swait.ge [sflag:s23], $0x1  }
0xa4: {  	[sflag:s23] =	ssyncset.done $0x0  }
0xa5: {  	s25 =	simm.s32 $0x1B8E;
	s24 =	sld [smem:$0x3FFE];
	[sflag:s23] =	ssyncadd.s32 $0xFFFFFFFF  }
0xa6: {  	s26 =	simm.s32 $execute0_lowered;
	[smem:$0x3FD2] =	sst s25  }
0xa7: {  	s6 =	sshll.u32 s26, $0x1;
	_ =	strace $0x80000046;
	[dreg:$0x1] =	wrdreg $0xFFFFFFFF  }
0xa8: {  	s28 =	simm.s32 $_size_execute0_lowered;
	s4 =	sadd.s32 s4, s6;
	[dreg:$0x0] =	wrdreg $0x0  }
0xa9: {  	s6 =	sshll.u32 s28, $0x1;
	[dreg:$0x2] =	wrdreg s4  }
0xaa: {  	[dreg:$0x3] =	wrdreg s6  }
0xab: {  	[dreg:$0x4] =	wrdreg $0xC0  }
0xac: {  	_ =	task [dreg:s8], $0x5FFFF  }
0xad: {  	[dreg:$0x1] =	wrdreg $0xFFFFFFFF  }
0xae: {  	[dreg:$0x0] =	wrdreg $0x60  }
0xaf: {  	[dreg:$0x2] =	wrdreg s2  }
0xb0: {  	[dreg:$0x3] =	wrdreg s24  }
0xb1: {  	[dreg:$0x4] =	wrdreg s18  }
0xb2: {  	[dreg:$0x5] =	wrdreg $0x9  }
0xb3: {  	_ =	task.clear_ibuf [dreg:s8], $0x6FFFF;
	_ =	strace $0x90000046  }
0xb4: {  	s29 =	simm.s32 $0x9;
	_ =	strace $0x80000048  }
0xb5: {  	_ =	swait.ge [sflag:s29], $0x1  }
0xb6: {  	[sflag:s29] =	ssyncadd.s32 $0xFFFFFFFF  }
0xb7: {  	_ =	strace $0x90000048  }
0xb8: {  	_ =	sfence  }
0xb9: {  	s30 =	sld [smem:$0x0];
	_ =	sdelay $0x2  }
0xba: {  	s31 =	sshll.u32 s1, $0xD;
	s1 =	sshrl.u32 s1, $0x2  }
0xbb: {  	s3 =	sand.u32 $0x4000, s31;
	s1 =	sadd.s32 s1, s30  }
0xbc: {  	s0 =	sor.u32 s3, s0;
	s1 =	sshll.u32 s1, $0x11  }
0xbd: {  	s0 =	sor.u32 s1, s0  }
0xbe: {  	s0 =	sadd.s32 $0x8F2B, s0  }
0xbf: {  	[sflag:s0] =	ssyncadd.remote.s32 $0x1  }
0xc0: {  	_ =	sfence.sel $0xFFFF  }
0xc1: {  	[dreg:$0x0] =	wrdreg $0xFFFFFFFF;
	(pc) =	sbr.abs _section_cstart, $3  }
0xc2: {  	[dreg:$0x1] =	wrdreg $0xFFFFFFFF  }
0xc3: {  	_ =	task.clear_ibuf [dreg:s8], $0x2FFFF;
	_ =	strace $0x9FFFFFFF  }
0xc4: {  	(tm) =	ssettm $0x7FFFFFFF  }
0xc5: {  	_ =	shalt  }
tec
execute0_lowered:
.L_overlay_start_1:
0x0: {  	(tag) =	ssettag $0x1  }
0x1: {  	s1 =	rddreg [dreg:$0x0]  }
0x2: {  	s0 =	rddreg [dreg:$0x1];
	s2 =	srdreg.scid  }
0x3: {  	s9 =	stileid.u32;
	s4 =	rddreg [dreg:$0x2]  }
0x4: {  	s3 =	simm.s32 $0x0;
	s28 =	simm.s32 $0xDC00;
	s29 =	simm.s32 $0x2  }
0x5: {  	s2 =	sand.u32 $0x1, s2;
	s5 =	sshll.u32 s9, $0x1;
	s19 =	smul.u32 $0x64, s9  }
0x6: {  	s5 =	sor.u32 s2, s5;
	s7 =	ssub.s32 $0x2, s2;
	s2 =	smul.u32 $0x32, s2  }
0x7: {  	s31 =	simm.s32 $0x11C00;
	s30 =	simm.s32 $0x7;
	s6 =	smul.u32 $0x380, s5  }
0x8: {  	[smem:$0x7FF] =	sst s3;
	s18 =	sadd.s32 $0x800, s4;
	s8 =	smul.u32 $0x19000, s5  }
0x9: {  	_ =	strace $0x80000047;
	s16 =	sshrl.u32 s7, $0x1;
	s5 =	smul.u32 $0xC8000, s5  }
0xa: {  	s2 =	sadd.s32 s2, s19;
	s19 =	simm.s32 $0xB;
	s0 =	sadd.s32 s6, s0  }
0xb: {  	s6 =	ssub.s32 s7, s16;
	s17 =	sadd.s32 s4, s8;
	s5 =	sshrl.u32 s5, $0x3  }
0xc: {  	s8 =	sadd.s32 s8, s18;
	s2 =	sshll.u32 s2, $0xB;
	[dreg:$0x5] =	wrdreg s17  }
0xd: {  	s0 =	sadd.s32 $0x400, s0;
	[dreg:$0x6] =	wrdreg s8;
	s5 =	sadd.s32 s4, s5  }
0xe: {  	s7 =	simm.s32 $0x0;
	[dreg:$0x4] =	wrdreg s0;
	s20 =	sadd.s32 $0x1000, s5  }
0xf: {  	s4 =	sadd.s32 s2, s4;
	s21 =	sadd.s32 $0x1800, s5;
	[dreg:$0x7] =	wrdreg s20  }
0x10: {  	s15 =	smax.u32 s6, $0x1;
	s22 =	sadd.s32 $0x2000, s5;
	[dreg:$0x8] =	wrdreg s21  }
0x11: {  	s6 =	simm.s32 $0xA;
	s23 =	sadd.s32 $0x16800, s5;
	[dreg:$0x9] =	wrdreg s22  }
0x12: {  	s24 =	sadd.s32 $0x17000, s5;
	s25 =	sadd.s32 $0x17800, s5;
	[dreg:$0xa] =	wrdreg s23  }
0x13: {  	s26 =	sadd.s32 $0x18000, s5;
	s5 =	sadd.s32 $0x18800, s5;
	[dreg:$0xb] =	wrdreg s24  }
0x14: {  	s0 =	sadd.s32 s18, s2;
	s16 =	sadd.s32 $0x3000, s4;
	[dreg:$0xc] =	wrdreg s25  }
0x15: {  	s18 =	sadd.s32 $0x2800, s4;
	s2 =	simm.s32 $0x3;
	[dreg:$0xd] =	wrdreg s26  }
0x16: {  	s4 =	simm.s32 $0x8;
	[dreg:$0xe] =	wrdreg s5;
	s12 =	sadd.s32 $0x4000, s0  }
0x17: {  	s20 =	simm.s32 $0x80;
	s21 =	simm.s32 $0x1C00;
	s22 =	simm.s32 $0x5C00  }
0x18: {  	s24 =	simm.s32 $0x9C00;
	s25 =	simm.s32 $0x1;
	s0 =	simm.s32 $0x6  }
0x19: {  	s26 =	simm.s32 $0x4;
	s23 =	simm.s32 $0x5;
	s5 =	simm.s32 $0x9  }
.LBB2_1:
0x1a: {  	s8 =	rddreg [dreg:$0x4]  }
0x1b: {  	[tilespmem:s3], [sflag:$0xB] =	stream.linear.gather [hbm4b:s8+s3], $0x1900, $0x38;
	[tilespmem:$0x15C00] =	vst v63  }
0x1c: {  	_ =	swait.ge [sflag:s19], $0x1900  }
0x1d: {  	[sflag:s19] =	ssyncset.done $0x0  }
0x1e: {  	[sflag:s19] =	ssyncadd.s32 $0xFFFFE700  }
0x1f: {  	[tilespmem:s21], [sflag:$0x1] =	stream.indirect.gather [hbm4b:s1+s20], $0x80, s3, s20, $0xb8;
	[tilespmem:$0x15C00] =	vst v63  }
0x20: {  	_ = 	snop  }
0x21: {  	[tilespmem:s22], [sflag:$0x2] =	stream.indirect.gather [hbm4b:s1+s20], $0x80, s20, s20, $0xb8;
	[tilespmem:$0x15C00] =	vst v63  }
0x22: {  	s10 =	simm.s32 $0x100  }
0x23: {  	[tilespmem:s24], [sflag:$0x3] =	stream.indirect.gather [hbm4b:s1+s20], $0x80, s10, s20, $0xb8;
	[tilespmem:$0x15C00] =	vst v63  }
0x24: {  	_ =	swait.ge [sflag:s25], $0x4000  }
0x25: {  	[sflag:s25] =	ssyncset.done $0x0  }
0x26: {  	s11 =	rddreg [dreg:$0x5];
	[sflag:s25] =	ssyncadd.s32 $0xFFFFC000  }
0x27: {  	[hbm4b:s11+s3] =	stream.linear.scatter [tilespmem:s21], [sflag:$0x6], $0x4000, $0x38;
	[tilespmem:$0x15C00] =	vst v63  }
0x28: {  	s13 =	simm.s32 $0x180  }
0x29: {  	[tilespmem:s28], [sflag:$0x4] =	stream.indirect.gather [hbm4b:s1+s20], $0x80, s13, s20, $0xb8;
	[tilespmem:$0x15C00] =	vst v63  }
0x2a: {  	_ =	swait.ge [sflag:s29], $0x4000  }
0x2b: {  	[sflag:s29] =	ssyncset.done $0x0  }
0x2c: {  	s14 =	rddreg [dreg:$0x6];
	[sflag:s29] =	ssyncadd.s32 $0xFFFFC000  }
0x2d: {  	[hbm4b:s14+s3] =	stream.linear.scatter [tilespmem:s22], [sflag:$0x7], $0x4000, $0x38;
	[tilespmem:$0x15C00] =	vst v63  }
0x2e: {  	s17 =	simm.s32 $0x200  }
0x2f: {  	[tilespmem:s31], [sflag:$0x5] =	stream.indirect.gather [hbm4b:s1+s20], $0x80, s17, s20, $0xb8;
	[tilespmem:$0x15C00] =	vst v63  }
0x30: {  	_ =	swait.ge [sflag:s2], $0x4000  }
0x31: {  	[sflag:s2] =	ssyncset.done $0x0  }
0x32: {  	s9 =	rddreg [dreg:$0x7];
	[sflag:s2] =	ssyncadd.s32 $0xFFFFC000  }
0x33: {  	[hbm4b:s9+s3] =	stream.linear.scatter [tilespmem:s24], [sflag:$0x8], $0x4000, $0x38;
	[tilespmem:$0x15C00] =	vst v63  }
0x34: {  	_ =	swait.ge [sflag:s0], $0x4000  }
0x35: {  	[sflag:s0] =	ssyncset.done $0x0  }
0x36: {  	s10 =	simm.s32 $0x280;
	[sflag:s0] =	ssyncadd.s32 $0xFFFFC000  }
0x37: {  	[tilespmem:s21], [sflag:$0x1] =	stream.indirect.gather [hbm4b:s1+s20], $0x80, s10, s20, $0xb8;
	[tilespmem:$0x15C00] =	vst v63  }
0x38: {  	_ =	swait.ge [sflag:s26], $0x4000  }
0x39: {  	[sflag:s26] =	ssyncset.done $0x0  }
0x3a: {  	s11 =	rddreg [dreg:$0x8];
	[sflag:s26] =	ssyncadd.s32 $0xFFFFC000  }
0x3b: {  	[hbm4b:s11+s3] =	stream.linear.scatter [tilespmem:s28], [sflag:$0x9], $0x4000, $0x38;
	[tilespmem:$0x15C00] =	vst v63  }
0x3c: {  	_ =	swait.ge [sflag:s30], $0x4000  }
0x3d: {  	[sflag:s30] =	ssyncset.done $0x0  }
0x3e: {  	s13 =	simm.s32 $0x300;
	[sflag:s30] =	ssyncadd.s32 $0xFFFFC000  }
0x3f: {  	[tilespmem:s22], [sflag:$0x2] =	stream.indirect.gather [hbm4b:s1+s20], $0x80, s13, s20, $0xb8;
	[tilespmem:$0x15C00] =	vst v63  }
0x40: {  	_ =	swait.ge [sflag:s23], $0x4000  }
0x41: {  	[sflag:s23] =	ssyncset.done $0x0  }
0x42: {  	s14 =	rddreg [dreg:$0x9];
	[sflag:s23] =	ssyncadd.s32 $0xFFFFC000  }
0x43: {  	[hbm4b:s14+s3] =	stream.linear.scatter [tilespmem:s31], [sflag:$0xA], $0x4000, $0x38;
	[tilespmem:$0x15C00] =	vst v63  }
0x44: {  	_ =	swait.ge [sflag:s4], $0x4000  }
0x45: {  	[sflag:s4] =	ssyncset.done $0x0  }
0x46: {  	s17 =	simm.s32 $0x380;
	[sflag:s4] =	ssyncadd.s32 $0xFFFFC000  }
0x47: {  	[tilespmem:s24], [sflag:$0x3] =	stream.indirect.gather [hbm4b:s1+s20], $0x80, s17, s20, $0xb8;
	[tilespmem:$0x15C00] =	vst v63  }
0x48: {  	_ =	swait.ge [sflag:s25], $0x4000  }
0x49: {  	[sflag:s25] =	ssyncset.done $0x0  }
0x4a: {  	[sflag:s25] =	ssyncadd.s32 $0xFFFFC000  }
0x4b: {  	[hbm4b:s18+s3] =	stream.linear.scatter [tilespmem:s21], [sflag:$0x6], $0x4000, $0x38;
	[tilespmem:$0x15C00] =	vst v63  }
0x4c: {  	_ =	swait.ge [sflag:s5], $0x4000  }
0x4d: {  	[sflag:s5] =	ssyncset.done $0x0  }
0x4e: {  	s9 =	simm.s32 $0x400;
	[sflag:s5] =	ssyncadd.s32 $0xFFFFC000  }
0x4f: {  	[tilespmem:s28], [sflag:$0x4] =	stream.indirect.gather [hbm4b:s1+s20], $0x80, s9, s20, $0xb8;
	[tilespmem:$0x15C00] =	vst v63  }
0x50: {  	_ =	swait.ge [sflag:s29], $0x4000  }
0x51: {  	[sflag:s29] =	ssyncset.done $0x0  }
0x52: {  	[sflag:s29] =	ssyncadd.s32 $0xFFFFC000  }
0x53: {  	[hbm4b:s16+s3] =	stream.linear.scatter [tilespmem:s22], [sflag:$0x7], $0x4000, $0x38;
	[tilespmem:$0x15C00] =	vst v63  }
0x54: {  	_ =	swait.ge [sflag:s6], $0x4000  }
0x55: {  	[sflag:s6] =	ssyncset.done $0x0  }
0x56: {  	s10 =	simm.s32 $0x480;
	[sflag:s6] =	ssyncadd.s32 $0xFFFFC000  }
0x57: {  	[tilespmem:s31], [sflag:$0x5] =	stream.indirect.gather [hbm4b:s1+s20], $0x80, s10, s20, $0xb8;
	[tilespmem:$0x15C00] =	vst v63  }
0x58: {  	_ =	swait.ge [sflag:s2], $0x4000  }
0x59: {  	[sflag:s2] =	ssyncset.done $0x0  }
0x5a: {  	s11 =	sadd.s32 $0x800, s16;
	[sflag:s2] =	ssyncadd.s32 $0xFFFFC000  }
0x5b: {  	[hbm4b:s11+s3] =	stream.linear.scatter [tilespmem:s24], [sflag:$0x8], $0x4000, $0x38;
	[tilespmem:$0x15C00] =	vst v63  }
0x5c: {  	_ =	swait.ge [sflag:s0], $0x4000  }
0x5d: {  	[sflag:s0] =	ssyncset.done $0x0  }
0x5e: {  	s13 =	simm.s32 $0x500;
	[sflag:s0] =	ssyncadd.s32 $0xFFFFC000  }
0x5f: {  	[tilespmem:s21], [sflag:$0x1] =	stream.indirect.gather [hbm4b:s1+s20], $0x80, s13, s20, $0xb8;
	[tilespmem:$0x15C00] =	vst v63  }
0x60: {  	_ =	swait.ge [sflag:s26], $0x4000  }
0x61: {  	[sflag:s26] =	ssyncset.done $0x0  }
0x62: {  	s14 =	sadd.s32 $0xFFFFF800, s12;
	[sflag:s26] =	ssyncadd.s32 $0xFFFFC000  }
0x63: {  	[hbm4b:s14+s3] =	stream.linear.scatter [tilespmem:s28], [sflag:$0x9], $0x4000, $0x38;
	[tilespmem:$0x15C00] =	vst v63  }
0x64: {  	_ =	swait.ge [sflag:s30], $0x4000  }
0x65: {  	[sflag:s30] =	ssyncset.done $0x0  }
0x66: {  	s17 =	simm.s32 $0x580;
	[sflag:s30] =	ssyncadd.s32 $0xFFFFC000  }
0x67: {  	[tilespmem:s22], [sflag:$0x2] =	stream.indirect.gather [hbm4b:s1+s20], $0x80, s17, s20, $0xb8;
	[tilespmem:$0x15C00] =	vst v63  }
0x68: {  	s8 =	simm.s32 $0xA00;
	_ =	swait.ge [sflag:s23], $0x4000  }
0x69: {  	s9 =	sadd.s32 $0x2800, s18;
	s10 =	sadd.s32 $0x2800, s16;
	[sflag:s23] =	ssyncset.done $0x0  }
0x6a: {  	s11 =	sadd.s32 $0x2800, s12;
	s17 =	smov.u32 s12;
	[sflag:s23] =	ssyncadd.s32 $0xFFFFC000  }
.LBB2_2:
0x6b: {  	[hbm4b:s17+s3] =	stream.linear.scatter [tilespmem:s31], [sflag:$0xA], $0x4000, $0x38;
	[tilespmem:$0x15C00] =	vst v63  }
0x6c: {  	s13 =	smov.u32 s8;
	s17 =	smov.u32 s11  }
0x6d: {  	p0 =	sne.s32 s8, $0x4600;
	s8 =	sadd.s32 $0xA00, s8;
	_ =	swait.ge [sflag:s4], $0x4000  }
0x6e: {  	s13 =	sshra.s32 s13, $0x2;
	[sflag:s4] =	ssyncset.done $0x0  }
0x6f: {  	s14 =	sadd.s32 $0x380, s13;
	[sflag:s4] =	ssyncadd.s32 $0xFFFFC000  }
0x70: {  	[tilespmem:s24], [sflag:$0x3] =	stream.indirect.gather [hbm4b:s1+s20], $0x80, s14, s20, $0xb8;
	[tilespmem:$0x15C00] =	vst v63  }
0x71: {  	_ =	swait.ge [sflag:s25], $0x4000  }
0x72: {  	[sflag:s25] =	ssyncset.done $0x0  }
0x73: {  	[sflag:s25] =	ssyncadd.s32 $0xFFFFC000  }
0x74: {  	[hbm4b:s9+s3] =	stream.linear.scatter [tilespmem:s21], [sflag:$0x6], $0x4000, $0x38;
	[tilespmem:$0x15C00] =	vst v63  }
0x75: {  	_ =	swait.ge [sflag:s5], $0x4000  }
0x76: {  	[sflag:s5] =	ssyncset.done $0x0  }
0x77: {  	s14 =	sadd.s32 $0x400, s13;
	[sflag:s5] =	ssyncadd.s32 $0xFFFFC000  }
0x78: {  	[tilespmem:s28], [sflag:$0x4] =	stream.indirect.gather [hbm4b:s1+s20], $0x80, s14, s20, $0xb8;
	[tilespmem:$0x15C00] =	vst v63  }
0x79: {  	_ =	swait.ge [sflag:s29], $0x4000  }
0x7a: {  	[sflag:s29] =	ssyncset.done $0x0  }
0x7b: {  	[sflag:s29] =	ssyncadd.s32 $0xFFFFC000  }
0x7c: {  	[hbm4b:s10+s3] =	stream.linear.scatter [tilespmem:s22], [sflag:$0x7], $0x4000, $0x38;
	[tilespmem:$0x15C00] =	vst v63  }
0x7d: {  	_ =	swait.ge [sflag:s6], $0x4000  }
0x7e: {  	[sflag:s6] =	ssyncset.done $0x0  }
0x7f: {  	s14 =	sadd.s32 $0x480, s13;
	[sflag:s6] =	ssyncadd.s32 $0xFFFFC000  }
0x80: {  	[tilespmem:s31], [sflag:$0x5] =	stream.indirect.gather [hbm4b:s1+s20], $0x80, s14, s20, $0xb8;
	[tilespmem:$0x15C00] =	vst v63  }
0x81: {  	_ =	swait.ge [sflag:s2], $0x4000  }
0x82: {  	[sflag:s2] =	ssyncset.done $0x0  }
0x83: {  	s14 =	sadd.s32 $0x800, s10;
	[sflag:s2] =	ssyncadd.s32 $0xFFFFC000  }
0x84: {  	[hbm4b:s14+s3] =	stream.linear.scatter [tilespmem:s24], [sflag:$0x8], $0x4000, $0x38;
	[tilespmem:$0x15C00] =	vst v63  }
0x85: {  	_ =	swait.ge [sflag:s0], $0x4000  }
0x86: {  	[sflag:s0] =	ssyncset.done $0x0  }
0x87: {  	s14 =	sadd.s32 $0x500, s13;
	[sflag:s0] =	ssyncadd.s32 $0xFFFFC000  }
0x88: {  	[tilespmem:s21], [sflag:$0x1] =	stream.indirect.gather [hbm4b:s1+s20], $0x80, s14, s20, $0xb8;
	[tilespmem:$0x15C00] =	vst v63  }
0x89: {  	_ =	swait.ge [sflag:s26], $0x4000  }
0x8a: {  	[sflag:s26] =	ssyncset.done $0x0  }
0x8b: {  	s14 =	sadd.s32 $0xFFFFF800, s11;
	[sflag:s26] =	ssyncadd.s32 $0xFFFFC000  }
0x8c: {  	[hbm4b:s14+s3] =	stream.linear.scatter [tilespmem:s28], [sflag:$0x9], $0x4000, $0x38;
	[tilespmem:$0x15C00] =	vst v63  }
0x8d: {  	_ =	swait.ge [sflag:s30], $0x4000  }
0x8e: {  	[sflag:s30] =	ssyncset.done $0x0  }
.Ltmp0:
0x8f: {  	s13 =	sadd.s32 $0x580, s13;
	[sflag:s30] =	ssyncadd.s32 $0xFFFFC000;
	(pc) =	sbr.rel @p0 .LBB2_2-.Ltmp0, $4  }
0x90: {  	[tilespmem:s22], [sflag:$0x2] =	stream.indirect.gather [hbm4b:s1+s20], $0x80, s13, s20, $0xb8;
	[tilespmem:$0x15C00] =	vst v63  }
0x91: {  	_ =	swait.ge [sflag:s23], $0x4000  }
0x92: {  	s9 =	sadd.s32 $0x2800, s9;
	[sflag:s23] =	ssyncset.done $0x0  }
0x93: {  	s10 =	sadd.s32 $0x2800, s10;
	s11 =	sadd.s32 $0x2800, s11;
	[sflag:s23] =	ssyncadd.s32 $0xFFFFC000  }
0x94: {  	[hbm4b:s17+s3] =	stream.linear.scatter [tilespmem:s31], [sflag:$0xA], $0x4000, $0x38;
	[tilespmem:$0x15C00] =	vst v63  }
0x95: {  	_ =	swait.ge [sflag:s4], $0x4000  }
0x96: {  	[sflag:s4] =	ssyncset.done $0x0  }
0x97: {  	s8 =	simm.s32 $0x1780;
	[sflag:s4] =	ssyncadd.s32 $0xFFFFC000  }
0x98: {  	[tilespmem:s24], [sflag:$0x3] =	stream.indirect.gather [hbm4b:s1+s20], $0x80, s8, s20, $0xb8;
	[tilespmem:$0x15C00] =	vst v63  }
0x99: {  	_ =	swait.ge [sflag:s25], $0x4000  }
0x9a: {  	[sflag:s25] =	ssyncset.done $0x0  }
0x9b: {  	s17 =	rddreg [dreg:$0xa];
	[sflag:s25] =	ssyncadd.s32 $0xFFFFC000  }
0x9c: {  	[hbm4b:s17+s3] =	stream.linear.scatter [tilespmem:s21], [sflag:$0x6], $0x4000, $0x38;
	[tilespmem:$0x15C00] =	vst v63  }
0x9d: {  	_ =	swait.ge [sflag:s5], $0x4000  }
0x9e: {  	[sflag:s5] =	ssyncset.done $0x0  }
0x9f: {  	s9 =	simm.s32 $0x1800;
	[sflag:s5] =	ssyncadd.s32 $0xFFFFC000  }
0xa0: {  	[tilespmem:s28], [sflag:$0x4] =	stream.indirect.gather [hbm4b:s1+s20], $0x80, s9, s20, $0xb8;
	[tilespmem:$0x15C00] =	vst v63  }
0xa1: {  	_ =	swait.ge [sflag:s29], $0x4000  }
0xa2: {  	[sflag:s29] =	ssyncset.done $0x0  }
0xa3: {  	s10 =	rddreg [dreg:$0xb];
	[sflag:s29] =	ssyncadd.s32 $0xFFFFC000  }
0xa4: {  	[hbm4b:s10+s3] =	stream.linear.scatter [tilespmem:s22], [sflag:$0x7], $0x4000, $0x38;
	[tilespmem:$0x15C00] =	vst v63  }
0xa5: {  	_ =	swait.ge [sflag:s6], $0x4000  }
0xa6: {  	[sflag:s6] =	ssyncset.done $0x0  }
0xa7: {  	s11 =	simm.s32 $0x1880;
	[sflag:s6] =	ssyncadd.s32 $0xFFFFC000  }
0xa8: {  	[tilespmem:s31], [sflag:$0x5] =	stream.indirect.gather [hbm4b:s1+s20], $0x80, s11, s20, $0xb8;
	[tilespmem:$0x15C00] =	vst v63  }
0xa9: {  	_ =	swait.ge [sflag:s2], $0x4000  }
0xaa: {  	[sflag:s2] =	ssyncset.done $0x0  }
0xab: {  	s13 =	rddreg [dreg:$0xc];
	[sflag:s2] =	ssyncadd.s32 $0xFFFFC000  }
0xac: {  	[hbm4b:s13+s3] =	stream.linear.scatter [tilespmem:s24], [sflag:$0x8], $0x4000, $0x38;
	[tilespmem:$0x15C00] =	vst v63  }
0xad: {  	_ =	swait.ge [sflag:s26], $0x4000  }
0xae: {  	[sflag:s26] =	ssyncset.done $0x0  }
0xaf: {  	s14 =	rddreg [dreg:$0xd];
	[sflag:s26] =	ssyncadd.s32 $0xFFFFC000  }
0xb0: {  	[hbm4b:s14+s3] =	stream.linear.scatter [tilespmem:s28], [sflag:$0x9], $0x4000, $0x38;
	[tilespmem:$0x15C00] =	vst v63  }
0xb1: {  	_ =	swait.ge [sflag:s23], $0x4000  }
0xb2: {  	[sflag:s23] =	ssyncset.done $0x0  }
0xb3: {  	s17 =	rddreg [dreg:$0xe];
	[sflag:s23] =	ssyncadd.s32 $0xFFFFC000  }
0xb4: {  	[hbm4b:s17+s3] =	stream.linear.scatter [tilespmem:s31], [sflag:$0xA], $0x4000, $0x38;
	[tilespmem:$0x15C00] =	vst v63  }
0xb5: {  	_ =	swait.ge [sflag:s0], $0x4000  }
0xb6: {  	[sflag:s0] =	ssyncset.done $0x0  }
0xb7: {  	[sflag:s0] =	ssyncadd.s32 $0xFFFFC000  }
0xb8: {  	_ =	swait.ge [sflag:s30], $0x4000  }
0xb9: {  	[sflag:s30] =	ssyncset.done $0x0  }
0xba: {  	[sflag:s30] =	ssyncadd.s32 $0xFFFFC000  }
0xbb: {  	_ =	swait.ge [sflag:s4], $0x4000  }
0xbc: {  	[sflag:s4] =	ssyncset.done $0x0  }
0xbd: {  	s7 =	sadd.s32 $0x1, s7;
	[sflag:s4] =	ssyncadd.s32 $0xFFFFC000  }
0xbe: {  	p0 =	sne.s32 s7, s15;
	_ =	swait.ge [sflag:s5], $0x4000  }
.Ltmp1:
0xbf: {  	[sflag:s5] =	ssyncset.done $0x0;
	(pc) =	sbr.rel @p0 .LBB2_1-.Ltmp1, $4  }
0xc0: {  	[sflag:s5] =	ssyncadd.s32 $0xFFFFC000  }
0xc1: {  	_ =	swait.ge [sflag:s6], $0x4000  }
0xc2: {  	[sflag:s6] =	ssyncset.done $0x0  }
0xc3: {  	[sflag:s6] =	ssyncadd.s32 $0xFFFFC000  }
0xc4: {  	_ =	sfence.sel $0x180000  }
0xc5: {  	[bflag:$0x0] =	sbarrier.arrive $0xFFFF  }
0xc6: {  	_ =	strace $0x90000047  }
0xc7: {  	s0 =	stileid.u32;
	[bflag:$0x2] =	sbarrier.arrive $0xFFFF  }
0xc8: {  	p0 =	sne.s32 s0, $0x0;
	s0 =	rddreg [dreg:$0x3]  }
0xc9: {  	s0 =	sadd.s32 @!p0 $0x100000, s0  }
0xca: {  	[sflag:s0] =	ssyncadd.tile.s32 @!p0 $0x1;
	_ =	shalt  }
.Lfunc_end2:
_tile_overlayer_lowered:
.L_overlay_start_2:
0xcb: {  	(tag) =	ssettag $0x2  }
0xcc: {  	s0 =	rddreg [dreg:$0x0];
	s2 =	stileid.u32  }
0xcd: {  	s1 =	rddreg [dreg:$0x1];
	p0 =	sne.s32 s2, $0x0  }
0xce: {  	s3 =	rddreg [dreg:$0x2];
	[bflag:$0x3] =	sbarrier.arrive $0xFFFF;
	s2 =	simm.s32 @!p0 $0x1C0B  }
0xcf: {  	[timem:s3], [sflag:s2] =	dma.local @!p0 [hbm:s0], s1  }
0xd0: {  	s0 =	simm.s32 @!p0 $0xB  }
0xd1: {  	_ =	swait.ge @!p0 [sflag:s0], s1  }
0xd2: {  	s1 =	ssub.s32 @!p0 $0x0, s1;
	[sflag:s0] =	ssyncset.done @!p0 $0x0  }
0xd3: {  	[sflag:s0] =	ssyncadd.s32 @!p0 s1  }
0xd4: {  	[bflag:$0x3] =	sbarrier.arrive $0xFFFF  }
0xd5: {  	_ =	shalt  }

</sc_bundles>
